<compile_context>
chip_gen: v7x
topology: tpu7x:2x2x1
jax: 0.10.2.dev20260603
libtpu: 0.0.44.dev20260713+nightly
codegen_flags: <defaults>
</compile_context>

<pallas_src>
import functools

import jax
import jax.numpy as jnp
from jax import lax
from jax.experimental import pallas as pl
from jax.experimental.pallas import tpu as pltpu
from jax.experimental.pallas import tpu_sc as plsc

N = 10000
D = 128
NPAD = 10240
NC, NS = 2, 16
NW = NC * NS
CHUNK = 128
ROWS_PER_TILE = NPAD // NS
CW = 16

_MESH = plsc.VectorSubcoreMesh(
    core_axis_name="c", subcore_axis_name="s", num_cores=NC, num_subcores=NS
)


def _count_body(hc, dst_hbm, out_hbm, dst_v, ones_v, zero_v, acc_sh, sem):
    c = lax.axis_index("c")
    s = lax.axis_index("s")
    wid = c * NS + s

    def fill(i, _):
        ones_v[i, :] = jnp.ones((16,), jnp.float32)
        zero_v[i, :] = jnp.zeros((16,), jnp.float32)
        return 0

    lax.fori_loop(0, CHUNK, fill, 0)
    for k in range(ROWS_PER_TILE // CHUNK):
        pltpu.sync_copy(zero_v, acc_sh.at[pl.ds(s * ROWS_PER_TILE + k * CHUNK, CHUNK)])
    plsc.subcore_barrier()

    def body(j, _):
        pltpu.async_copy(ones_v, acc_sh.at[dst_v.at[j]], sem, add=True).wait()
        return 0

    for half in range(2):
        pltpu.sync_copy(dst_hbm.at[wid, half], dst_v)
        lax.fori_loop(0, hc, body, 0)
    plsc.subcore_barrier()
    pltpu.sync_copy(
        acc_sh.at[pl.ds(s * ROWS_PER_TILE, ROWS_PER_TILE)],
        out_hbm.at[c, pl.ds(s * ROWS_PER_TILE, ROWS_PER_TILE)],
    )


def _scatter_body(hc, h_hbm, src_hbm, dst_hbm, out_hbm,
                  src_v, dst_v, rowbuf, acc_sh, gsem, ssem):
    c = lax.axis_index("c")
    s = lax.axis_index("s")
    wid = c * NS + s

    def zrow(i, _):
        for jj in range(D // 16):
            rowbuf[i, pl.ds(jj * 16, 16)] = jnp.zeros((16,), jnp.float32)
        return 0

    lax.fori_loop(0, CHUNK, zrow, 0)
    for k in range(ROWS_PER_TILE // CHUNK):
        pltpu.sync_copy(rowbuf, acc_sh.at[pl.ds(s * ROWS_PER_TILE + k * CHUNK, CHUNK)])
    plsc.subcore_barrier()

    def body(j, _):
        pltpu.async_copy(h_hbm.at[src_v.at[j]], rowbuf, gsem).wait()
        pltpu.async_copy(rowbuf, acc_sh.at[dst_v.at[j]], ssem, add=True).wait()
        return 0

    for half in range(2):
        pltpu.sync_copy(src_hbm.at[wid, half], src_v)
        pltpu.sync_copy(dst_hbm.at[wid, half], dst_v)
        lax.fori_loop(0, hc, body, 0)
    plsc.subcore_barrier()
    pltpu.sync_copy(
        acc_sh.at[pl.ds(s * ROWS_PER_TILE, ROWS_PER_TILE)],
        out_hbm.at[c, pl.ds(s * ROWS_PER_TILE, ROWS_PER_TILE)],
    )


def _make_count(hc):
    return pl.kernel(
        functools.partial(_count_body, hc),
        out_type=jax.ShapeDtypeStruct((NC, NPAD, CW), jnp.float32),
        mesh=_MESH,
        scratch_types=[
            pltpu.VMEM((hc, CHUNK), jnp.int32),
            pltpu.VMEM((CHUNK, CW), jnp.float32),
            pltpu.VMEM((CHUNK, CW), jnp.float32),
            pltpu.VMEM_SHARED((NPAD, CW), jnp.float32),
            pltpu.SemaphoreType.DMA,
        ],
    )


def _make_scatter(hc):
    return pl.kernel(
        functools.partial(_scatter_body, hc),
        out_type=jax.ShapeDtypeStruct((NC, NPAD, D), jnp.float32),
        mesh=_MESH,
        scratch_types=[
            pltpu.VMEM((hc, CHUNK), jnp.int32),
            pltpu.VMEM((hc, CHUNK), jnp.int32),
            pltpu.VMEM((CHUNK, D), jnp.float32),
            pltpu.VMEM_SHARED((NPAD, D), jnp.float32),
            pltpu.SemaphoreType.DMA,
            pltpu.SemaphoreType.DMA,
        ],
    )


BM = 1024


def _tc1_body(cnt0_ref, cnt1_ref, x_ref, w_ref, h_ref, dinv_ref):
    deg = cnt0_ref[...] + cnt1_ref[...] + 1.0
    dinv = lax.rsqrt(deg)
    h = jnp.dot(x_ref[...], w_ref[...], preferred_element_type=jnp.float32)
    h_ref[...] = h * dinv
    dinv_ref[...] = dinv


def _tc2_body(a0_ref, a1_ref, hp_ref, dinv_ref, b_ref, w_ref, o_ref):
    dinv = dinv_ref[...]
    z = dinv * (a0_ref[...] + a1_ref[...] + hp_ref[...]) + b_ref[...]
    z = jnp.maximum(z, 0.0)
    o_ref[...] = jnp.dot(z, w_ref[...], preferred_element_type=jnp.float32) * dinv


def _tc3_body(a0_ref, a1_ref, hp_ref, dinv_ref, b_ref, x_ref, o_ref):
    h = dinv_ref[...] * (a0_ref[...] + a1_ref[...] + hp_ref[...]) + b_ref[...]
    o_ref[...] = 0.8 * h + 0.2 * x_ref[...]


def _row_spec(w):
    return pl.BlockSpec((BM, w), lambda i: (i, 0))


def _full_spec(r, w):
    return pl.BlockSpec((r, w), lambda i: (0, 0))


_tc1 = pl.pallas_call(
    _tc1_body,
    grid=(NPAD // BM,),
    in_specs=[_row_spec(1), _row_spec(1), _row_spec(D), _full_spec(D, D)],
    out_specs=[_row_spec(D), _row_spec(1)],
    out_shape=[
        jax.ShapeDtypeStruct((NPAD, D), jnp.float32),
        jax.ShapeDtypeStruct((NPAD, 1), jnp.float32),
    ],
)

_tc2 = pl.pallas_call(
    _tc2_body,
    grid=(NPAD // BM,),
    in_specs=[_row_spec(D), _row_spec(D), _row_spec(D), _row_spec(1),
              _full_spec(1, D), _full_spec(D, D)],
    out_specs=_row_spec(D),
    out_shape=jax.ShapeDtypeStruct((NPAD, D), jnp.float32),
)

_tc3 = pl.pallas_call(
    _tc3_body,
    grid=(NPAD // BM,),
    in_specs=[_row_spec(D), _row_spec(D), _row_spec(D), _row_spec(1),
              _full_spec(1, D), _row_spec(D)],
    out_specs=_row_spec(D),
    out_shape=jax.ShapeDtypeStruct((NPAD, D), jnp.float32),
)


def kernel(x, edge_index, layers, W1, b1, W2, b2):
    e = edge_index.shape[1]
    grain = NW * CHUNK * 2
    epad = ((e + grain - 1) // grain) * grain
    hc = epad // grain

    ei = edge_index.astype(jnp.int32)
    pad = jnp.full((epad - e,), N, dtype=jnp.int32)
    src_t = jnp.concatenate([ei[0], pad]).reshape(NW, 2, hc, CHUNK)
    dst_t = jnp.concatenate([ei[1], pad]).reshape(NW, 2, hc, CHUNK)
    x_pad = jnp.pad(x, ((0, NPAD - N), (0, 0)))
    b1r = b1.reshape(1, D)
    b2r = b2.reshape(1, D)

    cnt = _make_count(hc)(dst_t)
    cnt0 = cnt[0, :, 0:1]
    cnt1 = cnt[1, :, 0:1]

    h1p, dinv = _tc1(cnt0, cnt1, x_pad, W1)

    scat = _make_scatter(hc)
    acc1 = scat(h1p, src_t, dst_t)
    h2p = _tc2(acc1[0], acc1[1], h1p, dinv, b1r, W2)

    acc2 = scat(h2p, src_t, dst_t)
    out = _tc3(acc2[0], acc2[1], h2p, dinv, b2r, x_pad)
    return out[:N]

# --- scband reference (transcript-rebuilt; emitter-appended) ---
"""Pipeline reference for scband-adaptive-gcn-24790551232802 (READ-ONLY COPY).

The authoritative reference and input builder live on the scoring server;
editing this copy changes nothing except your own understanding.
"""

import jax, jax.numpy as jnp
import numpy as np

N_NODES = 10000
N_EDGES = 320000
D = 128


def _gcn_conv(x, edge_index, W, b):
    n = x.shape[0]
    loop = jnp.arange(n, dtype=edge_index.dtype)
    src = jnp.concatenate([edge_index[0], loop])
    dst = jnp.concatenate([edge_index[1], loop])
    deg = jnp.zeros((n,), dtype=x.dtype).at[dst].add(1.0)
    dinv = jnp.where(deg > 0, jax.lax.rsqrt(deg), 0.0)
    norm = dinv[src] * dinv[dst]
    h = x @ W
    msg = h[src] * norm[:, None]
    out = jnp.zeros((n, h.shape[1]), dtype=x.dtype).at[dst].add(msg)
    return out + b


def setup_inputs(seed: int = 0) -> dict:
    key = jax.random.key(seed)
    k1, k2, k3, k4, k5, k6 = jax.random.split(key, 6)
    x = jax.random.normal(k1, (N_NODES, D), dtype=jnp.float32)
    edge_index = jax.random.randint(k2, (2, N_EDGES), 0, N_NODES, dtype=jnp.int64)
    s1 = 1.0 / np.sqrt(D)
    W1 = jax.random.uniform(k3, (D, D), dtype=jnp.float32, minval=-s1, maxval=s1)
    b1 = jax.random.uniform(k4, (D,), dtype=jnp.float32, minval=-s1, maxval=s1)
    W2 = jax.random.uniform(k5, (D, D), dtype=jnp.float32, minval=-s1, maxval=s1)
    b2 = jax.random.uniform(k6, (D,), dtype=jnp.float32, minval=-s1, maxval=s1)
    return {"x": x, "edge_index": edge_index, "layers": 2, "W1": W1, "b1": b1, "W2": W2, "b2": b2}


def reference(x, edge_index, layers, W1, b1, W2, b2):
    lambda_ = 0.8
    x1 = x
    # layers == 2 branch of AdaptiveGCN.forward (dropout treated as identity / eval)
    h = _gcn_conv(x, edge_index, W1, b1)
    h = jax.nn.relu(h)
    h = _gcn_conv(h, edge_index, W2, b2)
    return lambda_ * h + (1.0 - lambda_) * x1

if __name__ == "__main__":
    import jax
    _d = setup_inputs()
    print(jax.jit(kernel)(*tuple(_d.values())))

</pallas_src>

<mosaic_0001>
#map = affine_map<(d0, d1) -> (0, 0)>
#map1 = affine_map<(d0, d1) -> (0, 0, 0, 0)>
#map2 = affine_map<(d0, d1) -> (0, 0, 0)>
module attributes {stable_mosaic.version = 14 : i64} {
  func.func @_scatter_body(%arg0: i32, %arg1: i32, %arg2: memref<10240x128xf32, #tpu.memory_space<hbm>>, %arg3: memref<32x2x40x128xi32, #tpu.memory_space<hbm>>, %arg4: memref<32x2x40x128xi32, #tpu.memory_space<hbm>>, %arg5: memref<2x10240x128xf32, #tpu.memory_space<hbm>>, %arg6: memref<40x128xi32, #tpu.memory_space<vmem>>, %arg7: memref<40x128xi32, #tpu.memory_space<vmem>>, %arg8: memref<128x128xf32, #tpu.memory_space<vmem>>, %arg9: memref<10240x128xf32, #tpu.memory_space<vmem_shared>>, %arg10: memref<!tpu.dma_semaphore, #tpu.memory_space<semaphore_mem>>, %arg11: memref<!tpu.dma_semaphore, #tpu.memory_space<semaphore_mem>>) attributes {dimension_semantics = [#tpu.dimension_semantics<core_parallel>, #tpu.dimension_semantics<subcore_parallel>], iteration_bounds = array<i64: 2, 16>, scalar_prefetch = 0 : i64, scratch_operands = 6 : i64, tpu.core_type = #tpu.core_type<sc_vector_subcore>, window_params = [{transform_indices = #map}, {transform_indices = #map1}, {transform_indices = #map1}, {transform_indices = #map2}]} {
    %mul3A = arith.constant 16 : i32
    %mul3A_0 = arith.muli %arg0, %mul3A : i32
    %add3A = arith.addi %mul3A_0, %arg1 : i32
    %scan3A = arith.constant 0 : i32
    %scan3A_1 = arith.constant 0 : i32
    %scan3A_2 = arith.constant 128 : i32
    %scan3A_3 = arith.addi %scan3A_1, %scan3A_2 : i32
    %scan3A_4 = arith.constant 1 : i32
    %scan3A_5 = scf.for %scan3A_49 = %scan3A_1 to %scan3A_3 step %scan3A_4 iter_args(%scan3A_50 = %scan3A) -> (i32)  : i32 {
      %broadcast_in_dim3A = arith.constant 0.000000e+00 : f32
      %broadcast_in_dim3A_51 = vector.broadcast %broadcast_in_dim3A : f32 to vector<16xf32>
      %swap3A = arith.index_cast %scan3A_49 : i32 to index
      %swap3A_52 = arith.constant 0 : index
      %swap3A_53 = tpu.vector_load %arg8[%swap3A, %swap3A_52] {strides = array<i32>} : memref<128x128xf32, #tpu.memory_space<vmem>>, vector<1x16xf32>,
      %swap3A_54 = vector.shape_cast %swap3A_53 : vector<1x16xf32> to vector<16xf32>
      %swap3A_55 = vector.shape_cast %broadcast_in_dim3A_51 : vector<16xf32> to vector<1x16xf32>
      tpu.vector_store %arg8[%swap3A, %swap3A_52], %swap3A_55 {strides = array<i32>} : memref<128x128xf32, #tpu.memory_space<vmem>>, vector<1x16xf32>,
      %broadcast_in_dim3A_56 = arith.constant 0.000000e+00 : f32
      %broadcast_in_dim3A_57 = vector.broadcast %broadcast_in_dim3A_56 : f32 to vector<16xf32>
      %swap3A_58 = arith.index_cast %scan3A_49 : i32 to index
      %swap3A_59 = arith.constant 16 : index
      %swap3A_60 = tpu.vector_load %arg8[%swap3A_58, %swap3A_59] {strides = array<i32>} : memref<128x128xf32, #tpu.memory_space<vmem>>, vector<1x16xf32>,
      %swap3A_61 = vector.shape_cast %swap3A_60 : vector<1x16xf32> to vector<16xf32>
      %swap3A_62 = vector.shape_cast %broadcast_in_dim3A_57 : vector<16xf32> to vector<1x16xf32>
      tpu.vector_store %arg8[%swap3A_58, %swap3A_59], %swap3A_62 {strides = array<i32>} : memref<128x128xf32, #tpu.memory_space<vmem>>, vector<1x16xf32>,
      %broadcast_in_dim3A_63 = arith.constant 0.000000e+00 : f32
      %broadcast_in_dim3A_64 = vector.broadcast %broadcast_in_dim3A_63 : f32 to vector<16xf32>
      %swap3A_65 = arith.index_cast %scan3A_49 : i32 to index
      %swap3A_66 = arith.constant 32 : index
      %swap3A_67 = tpu.vector_load %arg8[%swap3A_65, %swap3A_66] {strides = array<i32>} : memref<128x128xf32, #tpu.memory_space<vmem>>, vector<1x16xf32>,
      %swap3A_68 = vector.shape_cast %swap3A_67 : vector<1x16xf32> to vector<16xf32>
      %swap3A_69 = vector.shape_cast %broadcast_in_dim3A_64 : vector<16xf32> to vector<1x16xf32>
      tpu.vector_store %arg8[%swap3A_65, %swap3A_66], %swap3A_69 {strides = array<i32>} : memref<128x128xf32, #tpu.memory_space<vmem>>, vector<1x16xf32>,
      %broadcast_in_dim3A_70 = arith.constant 0.000000e+00 : f32
      %broadcast_in_dim3A_71 = vector.broadcast %broadcast_in_dim3A_70 : f32 to vector<16xf32>
      %swap3A_72 = arith.index_cast %scan3A_49 : i32 to index
      %swap3A_73 = arith.constant 48 : index
      %swap3A_74 = tpu.vector_load %arg8[%swap3A_72, %swap3A_73] {strides = array<i32>} : memref<128x128xf32, #tpu.memory_space<vmem>>, vector<1x16xf32>,
      %swap3A_75 = vector.shape_cast %swap3A_74 : vector<1x16xf32> to vector<16xf32>
      %swap3A_76 = vector.shape_cast %broadcast_in_dim3A_71 : vector<16xf32> to vector<1x16xf32>
      tpu.vector_store %arg8[%swap3A_72, %swap3A_73], %swap3A_76 {strides = array<i32>} : memref<128x128xf32, #tpu.memory_space<vmem>>, vector<1x16xf32>,
      %broadcast_in_dim3A_77 = arith.constant 0.000000e+00 : f32
      %broadcast_in_dim3A_78 = vector.broadcast %broadcast_in_dim3A_77 : f32 to vector<16xf32>
      %swap3A_79 = arith.index_cast %scan3A_49 : i32 to index
      %swap3A_80 = arith.constant 64 : index
      %swap3A_81 = tpu.vector_load %arg8[%swap3A_79, %swap3A_80] {strides = array<i32>} : memref<128x128xf32, #tpu.memory_space<vmem>>, vector<1x16xf32>,
      %swap3A_82 = vector.shape_cast %swap3A_81 : vector<1x16xf32> to vector<16xf32>
      %swap3A_83 = vector.shape_cast %broadcast_in_dim3A_78 : vector<16xf32> to vector<1x16xf32>
      tpu.vector_store %arg8[%swap3A_79, %swap3A_80], %swap3A_83 {strides = array<i32>} : memref<128x128xf32, #tpu.memory_space<vmem>>, vector<1x16xf32>,
      %broadcast_in_dim3A_84 = arith.constant 0.000000e+00 : f32
      %broadcast_in_dim3A_85 = vector.broadcast %broadcast_in_dim3A_84 : f32 to vector<16xf32>
      %swap3A_86 = arith.index_cast %scan3A_49 : i32 to index
      %swap3A_87 = arith.constant 80 : index
      %swap3A_88 = tpu.vector_load %arg8[%swap3A_86, %swap3A_87] {strides = array<i32>} : memref<128x128xf32, #tpu.memory_space<vmem>>, vector<1x16xf32>,
      %swap3A_89 = vector.shape_cast %swap3A_88 : vector<1x16xf32> to vector<16xf32>
      %swap3A_90 = vector.shape_cast %broadcast_in_dim3A_85 : vector<16xf32> to vector<1x16xf32>
      tpu.vector_store %arg8[%swap3A_86, %swap3A_87], %swap3A_90 {strides = array<i32>} : memref<128x128xf32, #tpu.memory_space<vmem>>, vector<1x16xf32>,
      %broadcast_in_dim3A_91 = arith.constant 0.000000e+00 : f32
      %broadcast_in_dim3A_92 = vector.broadcast %broadcast_in_dim3A_91 : f32 to vector<16xf32>
      %swap3A_93 = arith.index_cast %scan3A_49 : i32 to index
      %swap3A_94 = arith.constant 96 : index
      %swap3A_95 = tpu.vector_load %arg8[%swap3A_93, %swap3A_94] {strides = array<i32>} : memref<128x128xf32, #tpu.memory_space<vmem>>, vector<1x16xf32>,
      %swap3A_96 = vector.shape_cast %swap3A_95 : vector<1x16xf32> to vector<16xf32>
      %swap3A_97 = vector.shape_cast %broadcast_in_dim3A_92 : vector<16xf32> to vector<1x16xf32>
      tpu.vector_store %arg8[%swap3A_93, %swap3A_94], %swap3A_97 {strides = array<i32>} : memref<128x128xf32, #tpu.memory_space<vmem>>, vector<1x16xf32>,
      %broadcast_in_dim3A_98 = arith.constant 0.000000e+00 : f32
      %broadcast_in_dim3A_99 = vector.broadcast %broadcast_in_dim3A_98 : f32 to vector<16xf32>
      %swap3A_100 = arith.index_cast %scan3A_49 : i32 to index
      %swap3A_101 = arith.constant 112 : index
      %swap3A_102 = tpu.vector_load %arg8[%swap3A_100, %swap3A_101] {strides = array<i32>} : memref<128x128xf32, #tpu.memory_space<vmem>>, vector<1x16xf32>,
      %swap3A_103 = vector.shape_cast %swap3A_102 : vector<1x16xf32> to vector<16xf32>
      %swap3A_104 = vector.shape_cast %broadcast_in_dim3A_99 : vector<16xf32> to vector<1x16xf32>
      tpu.vector_store %arg8[%swap3A_100, %swap3A_101], %swap3A_104 {strides = array<i32>} : memref<128x128xf32, #tpu.memory_space<vmem>>, vector<1x16xf32>,
      %scan3A_105 = arith.constant 0 : i32
      scf.yield %scan3A_105 : i32
    }
    %scan3A_6 = arith.constant 128 : i32
    %mul3A_7 = arith.constant 640 : i32
    %mul3A_8 = arith.muli %arg1, %mul3A_7 : i32
    %add3A_9 = arith.constant 0 : i32
    %add3A_10 = arith.addi %mul3A_8, %add3A_9 : i32
    "tpu.region"() ({
      %run_scoped3A_49 = tpu.sem_alloc : memref<!tpu.dma_semaphore, #tpu.memory_space<semaphore_mem>>
      %dma_start3A = arith.constant 0 : i32
      %dma_start3A_50 = tpu.memref_slice %arg9[%add3A_10, %dma_start3A] : memref<10240x128xf32, #tpu.memory_space<vmem_shared>> -> memref<128x128xf32, #tpu.memory_space<vmem_shared>>
      %dma_start3A_51 = arith.constant 0 : i32
      %dma_start3A_52 = tpu.memref_slice %arg9[%add3A_10, %dma_start3A_51] : memref<10240x128xf32, #tpu.memory_space<vmem_shared>> -> memref<128x128xf32, #tpu.memory_space<vmem_shared>>
      tpu.enqueue_dma source(%arg8 : memref<128x128xf32, #tpu.memory_space<vmem>>) target(%dma_start3A_52 : memref<128x128xf32, #tpu.memory_space<vmem_shared>>) target_semaphore(%run_scoped3A_49 : memref<!tpu.dma_semaphore, #tpu.memory_space<semaphore_mem>>)
      %dma_wait3A = arith.constant 0 : i32
      %dma_wait3A_53 = tpu.memref_slice %arg9[%add3A_10, %dma_wait3A] : memref<10240x128xf32, #tpu.memory_space<vmem_shared>> -> memref<128x128xf32, #tpu.memory_space<vmem_shared>>
      %dma_wait3A_54 = arith.constant 0 : i32
      %dma_wait3A_55 = tpu.memref_slice %arg9[%add3A_10, %dma_wait3A_54] : memref<10240x128xf32, #tpu.memory_space<vmem_shared>> -> memref<128x128xf32, #tpu.memory_space<vmem_shared>>
      tpu.wait_dma2 semaphore(%run_scoped3A_49 : memref<!tpu.dma_semaphore, #tpu.memory_space<semaphore_mem>>) src(%arg8 : memref<128x128xf32, #tpu.memory_space<vmem>>) dst(%dma_wait3A_55 : memref<128x128xf32, #tpu.memory_space<vmem_shared>>)
      tpu.yield
    }) : () -> ()
    %mul3A_11 = arith.constant 640 : i32
    %mul3A_12 = arith.muli %arg1, %mul3A_11 : i32
    %add3A_13 = arith.constant 128 : i32
    %add3A_14 = arith.addi %mul3A_12, %add3A_13 : i32
    "tpu.region"() ({
      %run_scoped3A_49 = tpu.sem_alloc : memref<!tpu.dma_semaphore, #tpu.memory_space<semaphore_mem>>
      %dma_start3A = arith.constant 0 : i32
      %dma_start3A_50 = tpu.memref_slice %arg9[%add3A_14, %dma_start3A] : memref<10240x128xf32, #tpu.memory_space<vmem_shared>> -> memref<128x128xf32, #tpu.memory_space<vmem_shared>>
      %dma_start3A_51 = arith.constant 0 : i32
      %dma_start3A_52 = tpu.memref_slice %arg9[%add3A_14, %dma_start3A_51] : memref<10240x128xf32, #tpu.memory_space<vmem_shared>> -> memref<128x128xf32, #tpu.memory_space<vmem_shared>>
      tpu.enqueue_dma source(%arg8 : memref<128x128xf32, #tpu.memory_space<vmem>>) target(%dma_start3A_52 : memref<128x128xf32, #tpu.memory_space<vmem_shared>>) target_semaphore(%run_scoped3A_49 : memref<!tpu.dma_semaphore, #tpu.memory_space<semaphore_mem>>)
      %dma_wait3A = arith.constant 0 : i32
      %dma_wait3A_53 = tpu.memref_slice %arg9[%add3A_14, %dma_wait3A] : memref<10240x128xf32, #tpu.memory_space<vmem_shared>> -> memref<128x128xf32, #tpu.memory_space<vmem_shared>>
      %dma_wait3A_54 = arith.constant 0 : i32
      %dma_wait3A_55 = tpu.memref_slice %arg9[%add3A_14, %dma_wait3A_54] : memref<10240x128xf32, #tpu.memory_space<vmem_shared>> -> memref<128x128xf32, #tpu.memory_space<vmem_shared>>
      tpu.wait_dma2 semaphore(%run_scoped3A_49 : memref<!tpu.dma_semaphore, #tpu.memory_space<semaphore_mem>>) src(%arg8 : memref<128x128xf32, #tpu.memory_space<vmem>>) dst(%dma_wait3A_55 : memref<128x128xf32, #tpu.memory_space<vmem_shared>>)
      tpu.yield
    }) : () -> ()
    %mul3A_15 = arith.constant 640 : i32
    %mul3A_16 = arith.muli %arg1, %mul3A_15 : i32
    %add3A_17 = arith.constant 256 : i32
    %add3A_18 = arith.addi %mul3A_16, %add3A_17 : i32
    "tpu.region"() ({
      %run_scoped3A_49 = tpu.sem_alloc : memref<!tpu.dma_semaphore, #tpu.memory_space<semaphore_mem>>
      %dma_start3A = arith.constant 0 : i32
      %dma_start3A_50 = tpu.memref_slice %arg9[%add3A_18, %dma_start3A] : memref<10240x128xf32, #tpu.memory_space<vmem_shared>> -> memref<128x128xf32, #tpu.memory_space<vmem_shared>>
      %dma_start3A_51 = arith.constant 0 : i32
      %dma_start3A_52 = tpu.memref_slice %arg9[%add3A_18, %dma_start3A_51] : memref<10240x128xf32, #tpu.memory_space<vmem_shared>> -> memref<128x128xf32, #tpu.memory_space<vmem_shared>>
      tpu.enqueue_dma source(%arg8 : memref<128x128xf32, #tpu.memory_space<vmem>>) target(%dma_start3A_52 : memref<128x128xf32, #tpu.memory_space<vmem_shared>>) target_semaphore(%run_scoped3A_49 : memref<!tpu.dma_semaphore, #tpu.memory_space<semaphore_mem>>)
      %dma_wait3A = arith.constant 0 : i32
      %dma_wait3A_53 = tpu.memref_slice %arg9[%add3A_18, %dma_wait3A] : memref<10240x128xf32, #tpu.memory_space<vmem_shared>> -> memref<128x128xf32, #tpu.memory_space<vmem_shared>>
      %dma_wait3A_54 = arith.constant 0 : i32
      %dma_wait3A_55 = tpu.memref_slice %arg9[%add3A_18, %dma_wait3A_54] : memref<10240x128xf32, #tpu.memory_space<vmem_shared>> -> memref<128x128xf32, #tpu.memory_space<vmem_shared>>
      tpu.wait_dma2 semaphore(%run_scoped3A_49 : memref<!tpu.dma_semaphore, #tpu.memory_space<semaphore_mem>>) src(%arg8 : memref<128x128xf32, #tpu.memory_space<vmem>>) dst(%dma_wait3A_55 : memref<128x128xf32, #tpu.memory_space<vmem_shared>>)
      tpu.yield
    }) : () -> ()
    %mul3A_19 = arith.constant 640 : i32
    %mul3A_20 = arith.muli %arg1, %mul3A_19 : i32
    %add3A_21 = arith.constant 384 : i32
    %add3A_22 = arith.addi %mul3A_20, %add3A_21 : i32
    "tpu.region"() ({
      %run_scoped3A_49 = tpu.sem_alloc : memref<!tpu.dma_semaphore, #tpu.memory_space<semaphore_mem>>
      %dma_start3A = arith.constant 0 : i32
      %dma_start3A_50 = tpu.memref_slice %arg9[%add3A_22, %dma_start3A] : memref<10240x128xf32, #tpu.memory_space<vmem_shared>> -> memref<128x128xf32, #tpu.memory_space<vmem_shared>>
      %dma_start3A_51 = arith.constant 0 : i32
      %dma_start3A_52 = tpu.memref_slice %arg9[%add3A_22, %dma_start3A_51] : memref<10240x128xf32, #tpu.memory_space<vmem_shared>> -> memref<128x128xf32, #tpu.memory_space<vmem_shared>>
      tpu.enqueue_dma source(%arg8 : memref<128x128xf32, #tpu.memory_space<vmem>>) target(%dma_start3A_52 : memref<128x128xf32, #tpu.memory_space<vmem_shared>>) target_semaphore(%run_scoped3A_49 : memref<!tpu.dma_semaphore, #tpu.memory_space<semaphore_mem>>)
      %dma_wait3A = arith.constant 0 : i32
      %dma_wait3A_53 = tpu.memref_slice %arg9[%add3A_22, %dma_wait3A] : memref<10240x128xf32, #tpu.memory_space<vmem_shared>> -> memref<128x128xf32, #tpu.memory_space<vmem_shared>>
      %dma_wait3A_54 = arith.constant 0 : i32
      %dma_wait3A_55 = tpu.memref_slice %arg9[%add3A_22, %dma_wait3A_54] : memref<10240x128xf32, #tpu.memory_space<vmem_shared>> -> memref<128x128xf32, #tpu.memory_space<vmem_shared>>
      tpu.wait_dma2 semaphore(%run_scoped3A_49 : memref<!tpu.dma_semaphore, #tpu.memory_space<semaphore_mem>>) src(%arg8 : memref<128x128xf32, #tpu.memory_space<vmem>>) dst(%dma_wait3A_55 : memref<128x128xf32, #tpu.memory_space<vmem_shared>>)
      tpu.yield
    }) : () -> ()
    %mul3A_23 = arith.constant 640 : i32
    %mul3A_24 = arith.muli %arg1, %mul3A_23 : i32
    %add3A_25 = arith.constant 512 : i32
    %add3A_26 = arith.addi %mul3A_24, %add3A_25 : i32
    "tpu.region"() ({
      %run_scoped3A_49 = tpu.sem_alloc : memref<!tpu.dma_semaphore, #tpu.memory_space<semaphore_mem>>
      %dma_start3A = arith.constant 0 : i32
      %dma_start3A_50 = tpu.memref_slice %arg9[%add3A_26, %dma_start3A] : memref<10240x128xf32, #tpu.memory_space<vmem_shared>> -> memref<128x128xf32, #tpu.memory_space<vmem_shared>>
      %dma_start3A_51 = arith.constant 0 : i32
      %dma_start3A_52 = tpu.memref_slice %arg9[%add3A_26, %dma_start3A_51] : memref<10240x128xf32, #tpu.memory_space<vmem_shared>> -> memref<128x128xf32, #tpu.memory_space<vmem_shared>>
      tpu.enqueue_dma source(%arg8 : memref<128x128xf32, #tpu.memory_space<vmem>>) target(%dma_start3A_52 : memref<128x128xf32, #tpu.memory_space<vmem_shared>>) target_semaphore(%run_scoped3A_49 : memref<!tpu.dma_semaphore, #tpu.memory_space<semaphore_mem>>)
      %dma_wait3A = arith.constant 0 : i32
      %dma_wait3A_53 = tpu.memref_slice %arg9[%add3A_26, %dma_wait3A] : memref<10240x128xf32, #tpu.memory_space<vmem_shared>> -> memref<128x128xf32, #tpu.memory_space<vmem_shared>>
      %dma_wait3A_54 = arith.constant 0 : i32
      %dma_wait3A_55 = tpu.memref_slice %arg9[%add3A_26, %dma_wait3A_54] : memref<10240x128xf32, #tpu.memory_space<vmem_shared>> -> memref<128x128xf32, #tpu.memory_space<vmem_shared>>
      tpu.wait_dma2 semaphore(%run_scoped3A_49 : memref<!tpu.dma_semaphore, #tpu.memory_space<semaphore_mem>>) src(%arg8 : memref<128x128xf32, #tpu.memory_space<vmem>>) dst(%dma_wait3A_55 : memref<128x128xf32, #tpu.memory_space<vmem_shared>>)
      tpu.yield
    }) : () -> ()
    %barrier3A = arith.constant 0 : index
    tpu.barrier barrier_id(%barrier3A)
    %run_scoped3A = arith.constant 0 : i32
    "tpu.region"() ({
      %run_scoped3A_49 = tpu.sem_alloc : memref<!tpu.dma_semaphore, #tpu.memory_space<semaphore_mem>>
      %dma_start3A = arith.constant 0 : i32
      %dma_start3A_50 = arith.constant 0 : i32
      %dma_start3A_51 = tpu.memref_slice %arg3[%add3A, %run_scoped3A, %dma_start3A, %dma_start3A_50] : memref<32x2x40x128xi32, #tpu.memory_space<hbm>> -> memref<1x1x40x128xi32, #tpu.memory_space<hbm>>
      %dma_start3A_52 = tpu.memref_squeeze %dma_start3A_51 : memref<1x1x40x128xi32, #tpu.memory_space<hbm>> -> memref<40x128xi32, #tpu.memory_space<hbm>>
      %dma_start3A_53 = arith.constant 0 : i32
      %dma_start3A_54 = arith.constant 0 : i32
      %dma_start3A_55 = tpu.memref_slice %arg3[%add3A, %run_scoped3A, %dma_start3A_53, %dma_start3A_54] : memref<32x2x40x128xi32, #tpu.memory_space<hbm>> -> memref<1x1x40x128xi32, #tpu.memory_space<hbm>>
      %dma_start3A_56 = tpu.memref_squeeze %dma_start3A_55 : memref<1x1x40x128xi32, #tpu.memory_space<hbm>> -> memref<40x128xi32, #tpu.memory_space<hbm>>
      tpu.enqueue_dma source(%dma_start3A_56 : memref<40x128xi32, #tpu.memory_space<hbm>>) target(%arg6 : memref<40x128xi32, #tpu.memory_space<vmem>>) target_semaphore(%run_scoped3A_49 : memref<!tpu.dma_semaphore, #tpu.memory_space<semaphore_mem>>)
      %dma_wait3A = arith.constant 0 : i32
      %dma_wait3A_57 = arith.constant 0 : i32
      %dma_wait3A_58 = tpu.memref_slice %arg3[%add3A, %run_scoped3A, %dma_wait3A, %dma_wait3A_57] : memref<32x2x40x128xi32, #tpu.memory_space<hbm>> -> memref<1x1x40x128xi32, #tpu.memory_space<hbm>>
      %dma_wait3A_59 = tpu.memref_squeeze %dma_wait3A_58 : memref<1x1x40x128xi32, #tpu.memory_space<hbm>> -> memref<40x128xi32, #tpu.memory_space<hbm>>
      %dma_wait3A_60 = arith.constant 0 : i32
      %dma_wait3A_61 = arith.constant 0 : i32
      %dma_wait3A_62 = tpu.memref_slice %arg3[%add3A, %run_scoped3A, %dma_wait3A_60, %dma_wait3A_61] : memref<32x2x40x128xi32, #tpu.memory_space<hbm>> -> memref<1x1x40x128xi32, #tpu.memory_space<hbm>>
      %dma_wait3A_63 = tpu.memref_squeeze %dma_wait3A_62 : memref<1x1x40x128xi32, #tpu.memory_space<hbm>> -> memref<40x128xi32, #tpu.memory_space<hbm>>
      tpu.wait_dma2 semaphore(%run_scoped3A_49 : memref<!tpu.dma_semaphore, #tpu.memory_space<semaphore_mem>>) src(%dma_wait3A_63 : memref<40x128xi32, #tpu.memory_space<hbm>>) dst(%arg6 : memref<40x128xi32, #tpu.memory_space<vmem>>)
      tpu.yield
    }) : () -> ()
    %run_scoped3A_27 = arith.constant 0 : i32
    "tpu.region"() ({
      %run_scoped3A_49 = tpu.sem_alloc : memref<!tpu.dma_semaphore, #tpu.memory_space<semaphore_mem>>
      %dma_start3A = arith.constant 0 : i32
      %dma_start3A_50 = arith.constant 0 : i32
      %dma_start3A_51 = tpu.memref_slice %arg4[%add3A, %run_scoped3A_27, %dma_start3A, %dma_start3A_50] : memref<32x2x40x128xi32, #tpu.memory_space<hbm>> -> memref<1x1x40x128xi32, #tpu.memory_space<hbm>>
      %dma_start3A_52 = tpu.memref_squeeze %dma_start3A_51 : memref<1x1x40x128xi32, #tpu.memory_space<hbm>> -> memref<40x128xi32, #tpu.memory_space<hbm>>
      %dma_start3A_53 = arith.constant 0 : i32
      %dma_start3A_54 = arith.constant 0 : i32
      %dma_start3A_55 = tpu.memref_slice %arg4[%add3A, %run_scoped3A_27, %dma_start3A_53, %dma_start3A_54] : memref<32x2x40x128xi32, #tpu.memory_space<hbm>> -> memref<1x1x40x128xi32, #tpu.memory_space<hbm>>
      %dma_start3A_56 = tpu.memref_squeeze %dma_start3A_55 : memref<1x1x40x128xi32, #tpu.memory_space<hbm>> -> memref<40x128xi32, #tpu.memory_space<hbm>>
      tpu.enqueue_dma source(%dma_start3A_56 : memref<40x128xi32, #tpu.memory_space<hbm>>) target(%arg7 : memref<40x128xi32, #tpu.memory_space<vmem>>) target_semaphore(%run_scoped3A_49 : memref<!tpu.dma_semaphore, #tpu.memory_space<semaphore_mem>>)
      %dma_wait3A = arith.constant 0 : i32
      %dma_wait3A_57 = arith.constant 0 : i32
      %dma_wait3A_58 = tpu.memref_slice %arg4[%add3A, %run_scoped3A_27, %dma_wait3A, %dma_wait3A_57] : memref<32x2x40x128xi32, #tpu.memory_space<hbm>> -> memref<1x1x40x128xi32, #tpu.memory_space<hbm>>
      %dma_wait3A_59 = tpu.memref_squeeze %dma_wait3A_58 : memref<1x1x40x128xi32, #tpu.memory_space<hbm>> -> memref<40x128xi32, #tpu.memory_space<hbm>>
      %dma_wait3A_60 = arith.constant 0 : i32
      %dma_wait3A_61 = arith.constant 0 : i32
      %dma_wait3A_62 = tpu.memref_slice %arg4[%add3A, %run_scoped3A_27, %dma_wait3A_60, %dma_wait3A_61] : memref<32x2x40x128xi32, #tpu.memory_space<hbm>> -> memref<1x1x40x128xi32, #tpu.memory_space<hbm>>
      %dma_wait3A_63 = tpu.memref_squeeze %dma_wait3A_62 : memref<1x1x40x128xi32, #tpu.memory_space<hbm>> -> memref<40x128xi32, #tpu.memory_space<hbm>>
      tpu.wait_dma2 semaphore(%run_scoped3A_49 : memref<!tpu.dma_semaphore, #tpu.memory_space<semaphore_mem>>) src(%dma_wait3A_63 : memref<40x128xi32, #tpu.memory_space<hbm>>) dst(%arg7 : memref<40x128xi32, #tpu.memory_space<vmem>>)
      tpu.yield
    }) : () -> ()
    %scan3A_28 = arith.constant 0 : i32
    %scan3A_29 = arith.constant 0 : i32
    %scan3A_30 = arith.constant 40 : i32
    %scan3A_31 = arith.addi %scan3A_29, %scan3A_30 : i32
    %scan3A_32 = arith.constant 1 : i32
    %scan3A_33 = scf.for %scan3A_49 = %scan3A_29 to %scan3A_31 step %scan3A_32 iter_args(%scan3A_50 = %scan3A_28) -> (i32)  : i32 {
      %dma_start3A = arith.constant 0 : i32
      %dma_start3A_51 = tpu.memref_slice %arg6[%scan3A_49, %dma_start3A] : memref<40x128xi32, #tpu.memory_space<vmem>> -> memref<1x128xi32, #tpu.memory_space<vmem>>
      %dma_start3A_52 = tpu.memref_squeeze %dma_start3A_51 : memref<1x128xi32, #tpu.memory_space<vmem>> -> memref<128xi32, #tpu.memory_space<vmem>>
      %dma_start3A_53 = arith.constant 0 : i32
      %dma_start3A_54 = arith.constant 0 : i32
      %dma_start3A_55 = tpu.memref_slice %arg2[%dma_start3A_53, %dma_start3A_54] : memref<10240x128xf32, #tpu.memory_space<hbm>> -> memref<10240x128xf32, #tpu.memory_space<hbm>>
      tpu.enqueue_indirect_dma source(%dma_start3A_55 : memref<10240x128xf32, #tpu.memory_space<hbm>>) target(%arg8 : memref<128x128xf32, #tpu.memory_space<vmem>>) offsets(%dma_start3A_52 : memref<128xi32, #tpu.memory_space<vmem>>) semaphore(%arg10 : memref<!tpu.dma_semaphore, #tpu.memory_space<semaphore_mem>>)
      %dma_wait3A = arith.constant 0 : i32
      %dma_wait3A_56 = tpu.memref_slice %arg6[%scan3A_49, %dma_wait3A] : memref<40x128xi32, #tpu.memory_space<vmem>> -> memref<1x128xi32, #tpu.memory_space<vmem>>
      %dma_wait3A_57 = tpu.memref_squeeze %dma_wait3A_56 : memref<1x128xi32, #tpu.memory_space<vmem>> -> memref<128xi32, #tpu.memory_space<vmem>>
      %dma_wait3A_58 = arith.constant 0 : i32
      %dma_wait3A_59 = arith.constant 0 : i32
      %dma_wait3A_60 = tpu.memref_slice %arg2[%dma_wait3A_58, %dma_wait3A_59] : memref<10240x128xf32, #tpu.memory_space<hbm>> -> memref<10240x128xf32, #tpu.memory_space<hbm>>
      tpu.wait_indirect_dma semaphore(%arg10 : memref<!tpu.dma_semaphore, #tpu.memory_space<semaphore_mem>>) src(%dma_wait3A_60 : memref<10240x128xf32, #tpu.memory_space<hbm>>) dst(%arg8 : memref<128x128xf32, #tpu.memory_space<vmem>>)
      %dma_start3A_61 = arith.constant 0 : i32
      %dma_start3A_62 = tpu.memref_slice %arg7[%scan3A_49, %dma_start3A_61] : memref<40x128xi32, #tpu.memory_space<vmem>> -> memref<1x128xi32, #tpu.memory_space<vmem>>
      %dma_start3A_63 = tpu.memref_squeeze %dma_start3A_62 : memref<1x128xi32, #tpu.memory_space<vmem>> -> memref<128xi32, #tpu.memory_space<vmem>>
      %dma_start3A_64 = arith.constant 0 : i32
      %dma_start3A_65 = arith.constant 0 : i32
      %dma_start3A_66 = tpu.memref_slice %arg9[%dma_start3A_64, %dma_start3A_65] : memref<10240x128xf32, #tpu.memory_space<vmem_shared>> -> memref<10240x128xf32, #tpu.memory_space<vmem_shared>>
      tpu.enqueue_indirect_dma source(%arg8 : memref<128x128xf32, #tpu.memory_space<vmem>>) target(%dma_start3A_66 : memref<10240x128xf32, #tpu.memory_space<vmem_shared>>) offsets(%dma_start3A_63 : memref<128xi32, #tpu.memory_space<vmem>>) semaphore(%arg11 : memref<!tpu.dma_semaphore, #tpu.memory_space<semaphore_mem>>) {add = true}
      %dma_wait3A_67 = arith.constant 0 : i32
      %dma_wait3A_68 = tpu.memref_slice %arg7[%scan3A_49, %dma_wait3A_67] : memref<40x128xi32, #tpu.memory_space<vmem>> -> memref<1x128xi32, #tpu.memory_space<vmem>>
      %dma_wait3A_69 = tpu.memref_squeeze %dma_wait3A_68 : memref<1x128xi32, #tpu.memory_space<vmem>> -> memref<128xi32, #tpu.memory_space<vmem>>
      %dma_wait3A_70 = arith.constant 0 : i32
      %dma_wait3A_71 = arith.constant 0 : i32
      %dma_wait3A_72 = tpu.memref_slice %arg9[%dma_wait3A_70, %dma_wait3A_71] : memref<10240x128xf32, #tpu.memory_space<vmem_shared>> -> memref<10240x128xf32, #tpu.memory_space<vmem_shared>>
      tpu.wait_indirect_dma semaphore(%arg11 : memref<!tpu.dma_semaphore, #tpu.memory_space<semaphore_mem>>) src(%arg8 : memref<128x128xf32, #tpu.memory_space<vmem>>) dst(%dma_wait3A_72 : memref<10240x128xf32, #tpu.memory_space<vmem_shared>>)
      %scan3A_73 = arith.constant 0 : i32
      scf.yield %scan3A_73 : i32
    }
    %scan3A_34 = arith.constant 40 : i32
    %run_scoped3A_35 = arith.constant 1 : i32
    "tpu.region"() ({
      %run_scoped3A_49 = tpu.sem_alloc : memref<!tpu.dma_semaphore, #tpu.memory_space<semaphore_mem>>
      %dma_start3A = arith.constant 0 : i32
      %dma_start3A_50 = arith.constant 0 : i32
      %dma_start3A_51 = tpu.memref_slice %arg3[%add3A, %run_scoped3A_35, %dma_start3A, %dma_start3A_50] : memref<32x2x40x128xi32, #tpu.memory_space<hbm>> -> memref<1x1x40x128xi32, #tpu.memory_space<hbm>>
      %dma_start3A_52 = tpu.memref_squeeze %dma_start3A_51 : memref<1x1x40x128xi32, #tpu.memory_space<hbm>> -> memref<40x128xi32, #tpu.memory_space<hbm>>
      %dma_start3A_53 = arith.constant 0 : i32
      %dma_start3A_54 = arith.constant 0 : i32
      %dma_start3A_55 = tpu.memref_slice %arg3[%add3A, %run_scoped3A_35, %dma_start3A_53, %dma_start3A_54] : memref<32x2x40x128xi32, #tpu.memory_space<hbm>> -> memref<1x1x40x128xi32, #tpu.memory_space<hbm>>
      %dma_start3A_56 = tpu.memref_squeeze %dma_start3A_55 : memref<1x1x40x128xi32, #tpu.memory_space<hbm>> -> memref<40x128xi32, #tpu.memory_space<hbm>>
      tpu.enqueue_dma source(%dma_start3A_56 : memref<40x128xi32, #tpu.memory_space<hbm>>) target(%arg6 : memref<40x128xi32, #tpu.memory_space<vmem>>) target_semaphore(%run_scoped3A_49 : memref<!tpu.dma_semaphore, #tpu.memory_space<semaphore_mem>>)
      %dma_wait3A = arith.constant 0 : i32
      %dma_wait3A_57 = arith.constant 0 : i32
      %dma_wait3A_58 = tpu.memref_slice %arg3[%add3A, %run_scoped3A_35, %dma_wait3A, %dma_wait3A_57] : memref<32x2x40x128xi32, #tpu.memory_space<hbm>> -> memref<1x1x40x128xi32, #tpu.memory_space<hbm>>
      %dma_wait3A_59 = tpu.memref_squeeze %dma_wait3A_58 : memref<1x1x40x128xi32, #tpu.memory_space<hbm>> -> memref<40x128xi32, #tpu.memory_space<hbm>>
      %dma_wait3A_60 = arith.constant 0 : i32
      %dma_wait3A_61 = arith.constant 0 : i32
      %dma_wait3A_62 = tpu.memref_slice %arg3[%add3A, %run_scoped3A_35, %dma_wait3A_60, %dma_wait3A_61] : memref<32x2x40x128xi32, #tpu.memory_space<hbm>> -> memref<1x1x40x128xi32, #tpu.memory_space<hbm>>
      %dma_wait3A_63 = tpu.memref_squeeze %dma_wait3A_62 : memref<1x1x40x128xi32, #tpu.memory_space<hbm>> -> memref<40x128xi32, #tpu.memory_space<hbm>>
      tpu.wait_dma2 semaphore(%run_scoped3A_49 : memref<!tpu.dma_semaphore, #tpu.memory_space<semaphore_mem>>) src(%dma_wait3A_63 : memref<40x128xi32, #tpu.memory_space<hbm>>) dst(%arg6 : memref<40x128xi32, #tpu.memory_space<vmem>>)
      tpu.yield
    }) : () -> ()
    %run_scoped3A_36 = arith.constant 1 : i32
    "tpu.region"() ({
      %run_scoped3A_49 = tpu.sem_alloc : memref<!tpu.dma_semaphore, #tpu.memory_space<semaphore_mem>>
      %dma_start3A = arith.constant 0 : i32
      %dma_start3A_50 = arith.constant 0 : i32
      %dma_start3A_51 = tpu.memref_slice %arg4[%add3A, %run_scoped3A_36, %dma_start3A, %dma_start3A_50] : memref<32x2x40x128xi32, #tpu.memory_space<hbm>> -> memref<1x1x40x128xi32, #tpu.memory_space<hbm>>
      %dma_start3A_52 = tpu.memref_squeeze %dma_start3A_51 : memref<1x1x40x128xi32, #tpu.memory_space<hbm>> -> memref<40x128xi32, #tpu.memory_space<hbm>>
      %dma_start3A_53 = arith.constant 0 : i32
      %dma_start3A_54 = arith.constant 0 : i32
      %dma_start3A_55 = tpu.memref_slice %arg4[%add3A, %run_scoped3A_36, %dma_start3A_53, %dma_start3A_54] : memref<32x2x40x128xi32, #tpu.memory_space<hbm>> -> memref<1x1x40x128xi32, #tpu.memory_space<hbm>>
      %dma_start3A_56 = tpu.memref_squeeze %dma_start3A_55 : memref<1x1x40x128xi32, #tpu.memory_space<hbm>> -> memref<40x128xi32, #tpu.memory_space<hbm>>
      tpu.enqueue_dma source(%dma_start3A_56 : memref<40x128xi32, #tpu.memory_space<hbm>>) target(%arg7 : memref<40x128xi32, #tpu.memory_space<vmem>>) target_semaphore(%run_scoped3A_49 : memref<!tpu.dma_semaphore, #tpu.memory_space<semaphore_mem>>)
      %dma_wait3A = arith.constant 0 : i32
      %dma_wait3A_57 = arith.constant 0 : i32
      %dma_wait3A_58 = tpu.memref_slice %arg4[%add3A, %run_scoped3A_36, %dma_wait3A, %dma_wait3A_57] : memref<32x2x40x128xi32, #tpu.memory_space<hbm>> -> memref<1x1x40x128xi32, #tpu.memory_space<hbm>>
      %dma_wait3A_59 = tpu.memref_squeeze %dma_wait3A_58 : memref<1x1x40x128xi32, #tpu.memory_space<hbm>> -> memref<40x128xi32, #tpu.memory_space<hbm>>
      %dma_wait3A_60 = arith.constant 0 : i32
      %dma_wait3A_61 = arith.constant 0 : i32
      %dma_wait3A_62 = tpu.memref_slice %arg4[%add3A, %run_scoped3A_36, %dma_wait3A_60, %dma_wait3A_61] : memref<32x2x40x128xi32, #tpu.memory_space<hbm>> -> memref<1x1x40x128xi32, #tpu.memory_space<hbm>>
      %dma_wait3A_63 = tpu.memref_squeeze %dma_wait3A_62 : memref<1x1x40x128xi32, #tpu.memory_space<hbm>> -> memref<40x128xi32, #tpu.memory_space<hbm>>
      tpu.wait_dma2 semaphore(%run_scoped3A_49 : memref<!tpu.dma_semaphore, #tpu.memory_space<semaphore_mem>>) src(%dma_wait3A_63 : memref<40x128xi32, #tpu.memory_space<hbm>>) dst(%arg7 : memref<40x128xi32, #tpu.memory_space<vmem>>)
      tpu.yield
    }) : () -> ()
    %scan3A_37 = arith.constant 0 : i32
    %scan3A_38 = arith.constant 0 : i32
    %scan3A_39 = arith.constant 40 : i32
    %scan3A_40 = arith.addi %scan3A_38, %scan3A_39 : i32
    %scan3A_41 = arith.constant 1 : i32
    %scan3A_42 = scf.for %scan3A_49 = %scan3A_38 to %scan3A_40 step %scan3A_41 iter_args(%scan3A_50 = %scan3A_37) -> (i32)  : i32 {
      %dma_start3A = arith.constant 0 : i32
      %dma_start3A_51 = tpu.memref_slice %arg6[%scan3A_49, %dma_start3A] : memref<40x128xi32, #tpu.memory_space<vmem>> -> memref<1x128xi32, #tpu.memory_space<vmem>>
      %dma_start3A_52 = tpu.memref_squeeze %dma_start3A_51 : memref<1x128xi32, #tpu.memory_space<vmem>> -> memref<128xi32, #tpu.memory_space<vmem>>
      %dma_start3A_53 = arith.constant 0 : i32
      %dma_start3A_54 = arith.constant 0 : i32
      %dma_start3A_55 = tpu.memref_slice %arg2[%dma_start3A_53, %dma_start3A_54] : memref<10240x128xf32, #tpu.memory_space<hbm>> -> memref<10240x128xf32, #tpu.memory_space<hbm>>
      tpu.enqueue_indirect_dma source(%dma_start3A_55 : memref<10240x128xf32, #tpu.memory_space<hbm>>) target(%arg8 : memref<128x128xf32, #tpu.memory_space<vmem>>) offsets(%dma_start3A_52 : memref<128xi32, #tpu.memory_space<vmem>>) semaphore(%arg10 : memref<!tpu.dma_semaphore, #tpu.memory_space<semaphore_mem>>)
      %dma_wait3A = arith.constant 0 : i32
      %dma_wait3A_56 = tpu.memref_slice %arg6[%scan3A_49, %dma_wait3A] : memref<40x128xi32, #tpu.memory_space<vmem>> -> memref<1x128xi32, #tpu.memory_space<vmem>>
      %dma_wait3A_57 = tpu.memref_squeeze %dma_wait3A_56 : memref<1x128xi32, #tpu.memory_space<vmem>> -> memref<128xi32, #tpu.memory_space<vmem>>
      %dma_wait3A_58 = arith.constant 0 : i32
      %dma_wait3A_59 = arith.constant 0 : i32
      %dma_wait3A_60 = tpu.memref_slice %arg2[%dma_wait3A_58, %dma_wait3A_59] : memref<10240x128xf32, #tpu.memory_space<hbm>> -> memref<10240x128xf32, #tpu.memory_space<hbm>>
      tpu.wait_indirect_dma semaphore(%arg10 : memref<!tpu.dma_semaphore, #tpu.memory_space<semaphore_mem>>) src(%dma_wait3A_60 : memref<10240x128xf32, #tpu.memory_space<hbm>>) dst(%arg8 : memref<128x128xf32, #tpu.memory_space<vmem>>)
      %dma_start3A_61 = arith.constant 0 : i32
      %dma_start3A_62 = tpu.memref_slice %arg7[%scan3A_49, %dma_start3A_61] : memref<40x128xi32, #tpu.memory_space<vmem>> -> memref<1x128xi32, #tpu.memory_space<vmem>>
      %dma_start3A_63 = tpu.memref_squeeze %dma_start3A_62 : memref<1x128xi32, #tpu.memory_space<vmem>> -> memref<128xi32, #tpu.memory_space<vmem>>
      %dma_start3A_64 = arith.constant 0 : i32
      %dma_start3A_65 = arith.constant 0 : i32
      %dma_start3A_66 = tpu.memref_slice %arg9[%dma_start3A_64, %dma_start3A_65] : memref<10240x128xf32, #tpu.memory_space<vmem_shared>> -> memref<10240x128xf32, #tpu.memory_space<vmem_shared>>
      tpu.enqueue_indirect_dma source(%arg8 : memref<128x128xf32, #tpu.memory_space<vmem>>) target(%dma_start3A_66 : memref<10240x128xf32, #tpu.memory_space<vmem_shared>>) offsets(%dma_start3A_63 : memref<128xi32, #tpu.memory_space<vmem>>) semaphore(%arg11 : memref<!tpu.dma_semaphore, #tpu.memory_space<semaphore_mem>>) {add = true}
      %dma_wait3A_67 = arith.constant 0 : i32
      %dma_wait3A_68 = tpu.memref_slice %arg7[%scan3A_49, %dma_wait3A_67] : memref<40x128xi32, #tpu.memory_space<vmem>> -> memref<1x128xi32, #tpu.memory_space<vmem>>
      %dma_wait3A_69 = tpu.memref_squeeze %dma_wait3A_68 : memref<1x128xi32, #tpu.memory_space<vmem>> -> memref<128xi32, #tpu.memory_space<vmem>>
      %dma_wait3A_70 = arith.constant 0 : i32
      %dma_wait3A_71 = arith.constant 0 : i32
      %dma_wait3A_72 = tpu.memref_slice %arg9[%dma_wait3A_70, %dma_wait3A_71] : memref<10240x128xf32, #tpu.memory_space<vmem_shared>> -> memref<10240x128xf32, #tpu.memory_space<vmem_shared>>
      tpu.wait_indirect_dma semaphore(%arg11 : memref<!tpu.dma_semaphore, #tpu.memory_space<semaphore_mem>>) src(%arg8 : memref<128x128xf32, #tpu.memory_space<vmem>>) dst(%dma_wait3A_72 : memref<10240x128xf32, #tpu.memory_space<vmem_shared>>)
      %scan3A_73 = arith.constant 0 : i32
      scf.yield %scan3A_73 : i32
    }
    %scan3A_43 = arith.constant 40 : i32
    %barrier3A_44 = arith.constant 0 : index
    tpu.barrier barrier_id(%barrier3A_44)
    %mul3A_45 = arith.constant 640 : i32
    %mul3A_46 = arith.muli %arg1, %mul3A_45 : i32
    %mul3A_47 = arith.constant 640 : i32
    %mul3A_48 = arith.muli %arg1, %mul3A_47 : i32
    "tpu.region"() ({
      %run_scoped3A_49 = tpu.sem_alloc : memref<!tpu.dma_semaphore, #tpu.memory_space<semaphore_mem>>
      %dma_start3A = arith.constant 0 : i32
      %dma_start3A_50 = tpu.memref_slice %arg5[%arg0, %mul3A_48, %dma_start3A] : memref<2x10240x128xf32, #tpu.memory_space<hbm>> -> memref<1x640x128xf32, #tpu.memory_space<hbm>>
      %dma_start3A_51 = tpu.memref_squeeze %dma_start3A_50 : memref<1x640x128xf32, #tpu.memory_space<hbm>> -> memref<640x128xf32, #tpu.memory_space<hbm>>
      %dma_start3A_52 = arith.constant 0 : i32
      %dma_start3A_53 = tpu.memref_slice %arg9[%mul3A_46, %dma_start3A_52] : memref<10240x128xf32, #tpu.memory_space<vmem_shared>> -> memref<640x128xf32, #tpu.memory_space<vmem_shared>>
      tpu.enqueue_dma source(%dma_start3A_53 : memref<640x128xf32, #tpu.memory_space<vmem_shared>>) target(%dma_start3A_51 : memref<640x128xf32, #tpu.memory_space<hbm>>) target_semaphore(%run_scoped3A_49 : memref<!tpu.dma_semaphore, #tpu.memory_space<semaphore_mem>>)
      %dma_wait3A = arith.constant 0 : i32
      %dma_wait3A_54 = tpu.memref_slice %arg5[%arg0, %mul3A_48, %dma_wait3A] : memref<2x10240x128xf32, #tpu.memory_space<hbm>> -> memref<1x640x128xf32, #tpu.memory_space<hbm>>
      %dma_wait3A_55 = tpu.memref_squeeze %dma_wait3A_54 : memref<1x640x128xf32, #tpu.memory_space<hbm>> -> memref<640x128xf32, #tpu.memory_space<hbm>>
      %dma_wait3A_56 = arith.constant 0 : i32
      %dma_wait3A_57 = tpu.memref_slice %arg9[%mul3A_46, %dma_wait3A_56] : memref<10240x128xf32, #tpu.memory_space<vmem_shared>> -> memref<640x128xf32, #tpu.memory_space<vmem_shared>>
      tpu.wait_dma2 semaphore(%run_scoped3A_49 : memref<!tpu.dma_semaphore, #tpu.memory_space<semaphore_mem>>) src(%dma_wait3A_57 : memref<640x128xf32, #tpu.memory_space<vmem_shared>>) dst(%dma_wait3A_55 : memref<640x128xf32, #tpu.memory_space<hbm>>)
      tpu.yield
    }) : () -> ()
    return
  }
}

#map = affine_map<(d0, d1) -> (0, 0)>
#map1 = affine_map<(d0, d1) -> (0, 0, 0, 0)>
#map2 = affine_map<(d0, d1) -> (0, 0, 0)>
module attributes {stable_mosaic.version = 14 : i64} {
  func.func @_scatter_body(%arg0: i32, %arg1: i32, %arg2: memref<10240x128xf32, #tpu.memory_space<hbm>>, %arg3: memref<32x2x40x128xi32, #tpu.memory_space<hbm>>, %arg4: memref<32x2x40x128xi32, #tpu.memory_space<hbm>>, %arg5: memref<2x10240x128xf32, #tpu.memory_space<hbm>>, %arg6: memref<40x128xi32, #tpu.memory_space<vmem>>, %arg7: memref<40x128xi32, #tpu.memory_space<vmem>>, %arg8: memref<128x128xf32, #tpu.memory_space<vmem>>, %arg9: memref<10240x128xf32, #tpu.memory_space<vmem_shared>>, %arg10: memref<!tpu.dma_semaphore, #tpu.memory_space<semaphore_mem>>, %arg11: memref<!tpu.dma_semaphore, #tpu.memory_space<semaphore_mem>>) attributes {dimension_semantics = [#tpu.dimension_semantics<core_parallel>, #tpu.dimension_semantics<subcore_parallel>], iteration_bounds = array<i64: 2, 16>, scalar_prefetch = 0 : i64, scratch_operands = 6 : i64, tpu.core_type = #tpu.core_type<sc_vector_subcore>, window_params = [{transform_indices = #map}, {transform_indices = #map1}, {transform_indices = #map1}, {transform_indices = #map2}]} {
    %mul3A = arith.constant 16 : i32
    %mul3A_0 = arith.muli %arg0, %mul3A : i32
    %add3A = arith.addi %mul3A_0, %arg1 : i32
    %scan3A = arith.constant 0 : i32
    %scan3A_1 = arith.constant 0 : i32
    %scan3A_2 = arith.constant 128 : i32
    %scan3A_3 = arith.addi %scan3A_1, %scan3A_2 : i32
    %scan3A_4 = arith.constant 1 : i32
    %scan3A_5 = scf.for %scan3A_49 = %scan3A_1 to %scan3A_3 step %scan3A_4 iter_args(%scan3A_50 = %scan3A) -> (i32)  : i32 {
      %broadcast_in_dim3A = arith.constant 0.000000e+00 : f32
      %broadcast_in_dim3A_51 = vector.broadcast %broadcast_in_dim3A : f32 to vector<16xf32>
      %swap3A = arith.index_cast %scan3A_49 : i32 to index
      %swap3A_52 = arith.constant 0 : index
      %swap3A_53 = tpu.vector_load %arg8[%swap3A, %swap3A_52] {strides = array<i32>} : memref<128x128xf32, #tpu.memory_space<vmem>>, vector<1x16xf32>,
      %swap3A_54 = vector.shape_cast %swap3A_53 : vector<1x16xf32> to vector<16xf32>
      %swap3A_55 = vector.shape_cast %broadcast_in_dim3A_51 : vector<16xf32> to vector<1x16xf32>
      tpu.vector_store %arg8[%swap3A, %swap3A_52], %swap3A_55 {strides = array<i32>} : memref<128x128xf32, #tpu.memory_space<vmem>>, vector<1x16xf32>,
      %broadcast_in_dim3A_56 = arith.constant 0.000000e+00 : f32
      %broadcast_in_dim3A_57 = vector.broadcast %broadcast_in_dim3A_56 : f32 to vector<16xf32>
      %swap3A_58 = arith.index_cast %scan3A_49 : i32 to index
      %swap3A_59 = arith.constant 16 : index
      %swap3A_60 = tpu.vector_load %arg8[%swap3A_58, %swap3A_59] {strides = array<i32>} : memref<128x128xf32, #tpu.memory_space<vmem>>, vector<1x16xf32>,
      %swap3A_61 = vector.shape_cast %swap3A_60 : vector<1x16xf32> to vector<16xf32>
      %swap3A_62 = vector.shape_cast %broadcast_in_dim3A_57 : vector<16xf32> to vector<1x16xf32>
      tpu.vector_store %arg8[%swap3A_58, %swap3A_59], %swap3A_62 {strides = array<i32>} : memref<128x128xf32, #tpu.memory_space<vmem>>, vector<1x16xf32>,
      %broadcast_in_dim3A_63 = arith.constant 0.000000e+00 : f32
      %broadcast_in_dim3A_64 = vector.broadcast %broadcast_in_dim3A_63 : f32 to vector<16xf32>
      %swap3A_65 = arith.index_cast %scan3A_49 : i32 to index
      %swap3A_66 = arith.constant 32 : index
      %swap3A_67 = tpu.vector_load %arg8[%swap3A_65, %swap3A_66] {strides = array<i32>} : memref<128x128xf32, #tpu.memory_space<vmem>>, vector<1x16xf32>,
      %swap3A_68 = vector.shape_cast %swap3A_67 : vector<1x16xf32> to vector<16xf32>
      %swap3A_69 = vector.shape_cast %broadcast_in_dim3A_64 : vector<16xf32> to vector<1x16xf32>
      tpu.vector_store %arg8[%swap3A_65, %swap3A_66], %swap3A_69 {strides = array<i32>} : memref<128x128xf32, #tpu.memory_space<vmem>>, vector<1x16xf32>,
      %broadcast_in_dim3A_70 = arith.constant 0.000000e+00 : f32
      %broadcast_in_dim3A_71 = vector.broadcast %broadcast_in_dim3A_70 : f32 to vector<16xf32>
      %swap3A_72 = arith.index_cast %scan3A_49 : i32 to index
      %swap3A_73 = arith.constant 48 : index
      %swap3A_74 = tpu.vector_load %arg8[%swap3A_72, %swap3A_73] {strides = array<i32>} : memref<128x128xf32, #tpu.memory_space<vmem>>, vector<1x16xf32>,
      %swap3A_75 = vector.shape_cast %swap3A_74 : vector<1x16xf32> to vector<16xf32>
      %swap3A_76 = vector.shape_cast %broadcast_in_dim3A_71 : vector<16xf32> to vector<1x16xf32>
      tpu.vector_store %arg8[%swap3A_72, %swap3A_73], %swap3A_76 {strides = array<i32>} : memref<128x128xf32, #tpu.memory_space<vmem>>, vector<1x16xf32>,
      %broadcast_in_dim3A_77 = arith.constant 0.000000e+00 : f32
      %broadcast_in_dim3A_78 = vector.broadcast %broadcast_in_dim3A_77 : f32 to vector<16xf32>
      %swap3A_79 = arith.index_cast %scan3A_49 : i32 to index
      %swap3A_80 = arith.constant 64 : index
      %swap3A_81 = tpu.vector_load %arg8[%swap3A_79, %swap3A_80] {strides = array<i32>} : memref<128x128xf32, #tpu.memory_space<vmem>>, vector<1x16xf32>,
      %swap3A_82 = vector.shape_cast %swap3A_81 : vector<1x16xf32> to vector<16xf32>
      %swap3A_83 = vector.shape_cast %broadcast_in_dim3A_78 : vector<16xf32> to vector<1x16xf32>
      tpu.vector_store %arg8[%swap3A_79, %swap3A_80], %swap3A_83 {strides = array<i32>} : memref<128x128xf32, #tpu.memory_space<vmem>>, vector<1x16xf32>,
      %broadcast_in_dim3A_84 = arith.constant 0.000000e+00 : f32
      %broadcast_in_dim3A_85 = vector.broadcast %broadcast_in_dim3A_84 : f32 to vector<16xf32>
      %swap3A_86 = arith.index_cast %scan3A_49 : i32 to index
      %swap3A_87 = arith.constant 80 : index
      %swap3A_88 = tpu.vector_load %arg8[%swap3A_86, %swap3A_87] {strides = array<i32>} : memref<128x128xf32, #tpu.memory_space<vmem>>, vector<1x16xf32>,
      %swap3A_89 = vector.shape_cast %swap3A_88 : vector<1x16xf32> to vector<16xf32>
      %swap3A_90 = vector.shape_cast %broadcast_in_dim3A_85 : vector<16xf32> to vector<1x16xf32>
      tpu.vector_store %arg8[%swap3A_86, %swap3A_87], %swap3A_90 {strides = array<i32>} : memref<128x128xf32, #tpu.memory_space<vmem>>, vector<1x16xf32>,
      %broadcast_in_dim3A_91 = arith.constant 0.000000e+00 : f32
      %broadcast_in_dim3A_92 = vector.broadcast %broadcast_in_dim3A_91 : f32 to vector<16xf32>
      %swap3A_93 = arith.index_cast %scan3A_49 : i32 to index
      %swap3A_94 = arith.constant 96 : index
      %swap3A_95 = tpu.vector_load %arg8[%swap3A_93, %swap3A_94] {strides = array<i32>} : memref<128x128xf32, #tpu.memory_space<vmem>>, vector<1x16xf32>,
      %swap3A_96 = vector.shape_cast %swap3A_95 : vector<1x16xf32> to vector<16xf32>
      %swap3A_97 = vector.shape_cast %broadcast_in_dim3A_92 : vector<16xf32> to vector<1x16xf32>
      tpu.vector_store %arg8[%swap3A_93, %swap3A_94], %swap3A_97 {strides = array<i32>} : memref<128x128xf32, #tpu.memory_space<vmem>>, vector<1x16xf32>,
      %broadcast_in_dim3A_98 = arith.constant 0.000000e+00 : f32
      %broadcast_in_dim3A_99 = vector.broadcast %broadcast_in_dim3A_98 : f32 to vector<16xf32>
      %swap3A_100 = arith.index_cast %scan3A_49 : i32 to index
      %swap3A_101 = arith.constant 112 : index
      %swap3A_102 = tpu.vector_load %arg8[%swap3A_100, %swap3A_101] {strides = array<i32>} : memref<128x128xf32, #tpu.memory_space<vmem>>, vector<1x16xf32>,
      %swap3A_103 = vector.shape_cast %swap3A_102 : vector<1x16xf32> to vector<16xf32>
      %swap3A_104 = vector.shape_cast %broadcast_in_dim3A_99 : vector<16xf32> to vector<1x16xf32>
      tpu.vector_store %arg8[%swap3A_100, %swap3A_101], %swap3A_104 {strides = array<i32>} : memref<128x128xf32, #tpu.memory_space<vmem>>, vector<1x16xf32>,
      %scan3A_105 = arith.constant 0 : i32
      scf.yield %scan3A_105 : i32
    }
    %scan3A_6 = arith.constant 128 : i32
    %mul3A_7 = arith.constant 640 : i32
    %mul3A_8 = arith.muli %arg1, %mul3A_7 : i32
    %add3A_9 = arith.constant 0 : i32
    %add3A_10 = arith.addi %mul3A_8, %add3A_9 : i32
    "tpu.region"() ({
      %run_scoped3A_49 = tpu.sem_alloc : memref<!tpu.dma_semaphore, #tpu.memory_space<semaphore_mem>>
      %dma_start3A = arith.constant 0 : i32
      %dma_start3A_50 = tpu.memref_slice %arg9[%add3A_10, %dma_start3A] : memref<10240x128xf32, #tpu.memory_space<vmem_shared>> -> memref<128x128xf32, #tpu.memory_space<vmem_shared>>
      %dma_start3A_51 = arith.constant 0 : i32
      %dma_start3A_52 = tpu.memref_slice %arg9[%add3A_10, %dma_start3A_51] : memref<10240x128xf32, #tpu.memory_space<vmem_shared>> -> memref<128x128xf32, #tpu.memory_space<vmem_shared>>
      tpu.enqueue_dma source(%arg8 : memref<128x128xf32, #tpu.memory_space<vmem>>) target(%dma_start3A_52 : memref<128x128xf32, #tpu.memory_space<vmem_shared>>) target_semaphore(%run_scoped3A_49 : memref<!tpu.dma_semaphore, #tpu.memory_space<semaphore_mem>>)
      %dma_wait3A = arith.constant 0 : i32
      %dma_wait3A_53 = tpu.memref_slice %arg9[%add3A_10, %dma_wait3A] : memref<10240x128xf32, #tpu.memory_space<vmem_shared>> -> memref<128x128xf32, #tpu.memory_space<vmem_shared>>
      %dma_wait3A_54 = arith.constant 0 : i32
      %dma_wait3A_55 = tpu.memref_slice %arg9[%add3A_10, %dma_wait3A_54] : memref<10240x128xf32, #tpu.memory_space<vmem_shared>> -> memref<128x128xf32, #tpu.memory_space<vmem_shared>>
      tpu.wait_dma2 semaphore(%run_scoped3A_49 : memref<!tpu.dma_semaphore, #tpu.memory_space<semaphore_mem>>) src(%arg8 : memref<128x128xf32, #tpu.memory_space<vmem>>) dst(%dma_wait3A_55 : memref<128x128xf32, #tpu.memory_space<vmem_shared>>)
      tpu.yield
    }) : () -> ()
    %mul3A_11 = arith.constant 640 : i32
    %mul3A_12 = arith.muli %arg1, %mul3A_11 : i32
    %add3A_13 = arith.constant 128 : i32
    %add3A_14 = arith.addi %mul3A_12, %add3A_13 : i32
    "tpu.region"() ({
      %run_scoped3A_49 = tpu.sem_alloc : memref<!tpu.dma_semaphore, #tpu.memory_space<semaphore_mem>>
      %dma_start3A = arith.constant 0 : i32
      %dma_start3A_50 = tpu.memref_slice %arg9[%add3A_14, %dma_start3A] : memref<10240x128xf32, #tpu.memory_space<vmem_shared>> -> memref<128x128xf32, #tpu.memory_space<vmem_shared>>
      %dma_start3A_51 = arith.constant 0 : i32
      %dma_start3A_52 = tpu.memref_slice %arg9[%add3A_14, %dma_start3A_51] : memref<10240x128xf32, #tpu.memory_space<vmem_shared>> -> memref<128x128xf32, #tpu.memory_space<vmem_shared>>
      tpu.enqueue_dma source(%arg8 : memref<128x128xf32, #tpu.memory_space<vmem>>) target(%dma_start3A_52 : memref<128x128xf32, #tpu.memory_space<vmem_shared>>) target_semaphore(%run_scoped3A_49 : memref<!tpu.dma_semaphore, #tpu.memory_space<semaphore_mem>>)
      %dma_wait3A = arith.constant 0 : i32
      %dma_wait3A_53 = tpu.memref_slice %arg9[%add3A_14, %dma_wait3A] : memref<10240x128xf32, #tpu.memory_space<vmem_shared>> -> memref<128x128xf32, #tpu.memory_space<vmem_shared>>
      %dma_wait3A_54 = arith.constant 0 : i32
      %dma_wait3A_55 = tpu.memref_slice %arg9[%add3A_14, %dma_wait3A_54] : memref<10240x128xf32, #tpu.memory_space<vmem_shared>> -> memref<128x128xf32, #tpu.memory_space<vmem_shared>>
      tpu.wait_dma2 semaphore(%run_scoped3A_49 : memref<!tpu.dma_semaphore, #tpu.memory_space<semaphore_mem>>) src(%arg8 : memref<128x128xf32, #tpu.memory_space<vmem>>) dst(%dma_wait3A_55 : memref<128x128xf32, #tpu.memory_space<vmem_shared>>)
      tpu.yield
    }) : () -> ()
    %mul3A_15 = arith.constant 640 : i32
    %mul3A_16 = arith.muli %arg1, %mul3A_15 : i32
    %add3A_17 = arith.constant 256 : i32
    %add3A_18 = arith.addi %mul3A_16, %add3A_17 : i32
    "tpu.region"() ({
      %run_scoped3A_49 = tpu.sem_alloc : memref<!tpu.dma_semaphore, #tpu.memory_space<semaphore_mem>>
      %dma_start3A = arith.constant 0 : i32
      %dma_start3A_50 = tpu.memref_slice %arg9[%add3A_18, %dma_start3A] : memref<10240x128xf32, #tpu.memory_space<vmem_shared>> -> memref<128x128xf32, #tpu.memory_space<vmem_shared>>
      %dma_start3A_51 = arith.constant 0 : i32
      %dma_start3A_52 = tpu.memref_slice %arg9[%add3A_18, %dma_start3A_51] : memref<10240x128xf32, #tpu.memory_space<vmem_shared>> -> memref<128x128xf32, #tpu.memory_space<vmem_shared>>
      tpu.enqueue_dma source(%arg8 : memref<128x128xf32, #tpu.memory_space<vmem>>) target(%dma_start3A_52 : memref<128x128xf32, #tpu.memory_space<vmem_shared>>) target_semaphore(%run_scoped3A_49 : memref<!tpu.dma_semaphore, #tpu.memory_space<semaphore_mem>>)
      %dma_wait3A = arith.constant 0 : i32
      %dma_wait3A_53 = tpu.memref_slice %arg9[%add3A_18, %dma_wait3A] : memref<10240x128xf32, #tpu.memory_space<vmem_shared>> -> memref<128x128xf32, #tpu.memory_space<vmem_shared>>
      %dma_wait3A_54 = arith.constant 0 : i32
      %dma_wait3A_55 = tpu.memref_slice %arg9[%add3A_18, %dma_wait3A_54] : memref<10240x128xf32, #tpu.memory_space<vmem_shared>> -> memref<128x128xf32, #tpu.memory_space<vmem_shared>>
      tpu.wait_dma2 semaphore(%run_scoped3A_49 : memref<!tpu.dma_semaphore, #tpu.memory_space<semaphore_mem>>) src(%arg8 : memref<128x128xf32, #tpu.memory_space<vmem>>) dst(%dma_wait3A_55 : memref<128x128xf32, #tpu.memory_space<vmem_shared>>)
      tpu.yield
    }) : () -> ()
    %mul3A_19 = arith.constant 640 : i32
    %mul3A_20 = arith.muli %arg1, %mul3A_19 : i32
    %add3A_21 = arith.constant 384 : i32
    %add3A_22 = arith.addi %mul3A_20, %add3A_21 : i32
    "tpu.region"() ({
      %run_scoped3A_49 = tpu.sem_alloc : memref<!tpu.dma_semaphore, #tpu.memory_space<semaphore_mem>>
      %dma_start3A = arith.constant 0 : i32
      %dma_start3A_50 = tpu.memref_slice %arg9[%add3A_22, %dma_start3A] : memref<10240x128xf32, #tpu.memory_space<vmem_shared>> -> memref<128x128xf32, #tpu.memory_space<vmem_shared>>
      %dma_start3A_51 = arith.constant 0 : i32
      %dma_start3A_52 = tpu.memref_slice %arg9[%add3A_22, %dma_start3A_51] : memref<10240x128xf32, #tpu.memory_space<vmem_shared>> -> memref<128x128xf32, #tpu.memory_space<vmem_shared>>
      tpu.enqueue_dma source(%arg8 : memref<128x128xf32, #tpu.memory_space<vmem>>) target(%dma_start3A_52 : memref<128x128xf32, #tpu.memory_space<vmem_shared>>) target_semaphore(%run_scoped3A_49 : memref<!tpu.dma_semaphore, #tpu.memory_space<semaphore_mem>>)
      %dma_wait3A = arith.constant 0 : i32
      %dma_wait3A_53 = tpu.memref_slice %arg9[%add3A_22, %dma_wait3A] : memref<10240x128xf32, #tpu.memory_space<vmem_shared>> -> memref<128x128xf32, #tpu.memory_space<vmem_shared>>
      %dma_wait3A_54 = arith.constant 0 : i32
      %dma_wait3A_55 = tpu.memref_slice %arg9[%add3A_22, %dma_wait3A_54] : memref<10240x128xf32, #tpu.memory_space<vmem_shared>> -> memref<128x128xf32, #tpu.memory_space<vmem_shared>>
      tpu.wait_dma2 semaphore(%run_scoped3A_49 : memref<!tpu.dma_semaphore, #tpu.memory_space<semaphore_mem>>) src(%arg8 : memref<128x128xf32, #tpu.memory_space<vmem>>) dst(%dma_wait3A_55 : memref<128x128xf32, #tpu.memory_space<vmem_shared>>)
      tpu.yield
    }) : () -> ()
    %mul3A_23 = arith.constant 640 : i32
    %mul3A_24 = arith.muli %arg1, %mul3A_23 : i32
    %add3A_25 = arith.constant 512 : i32
    %add3A_26 = arith.addi %mul3A_24, %add3A_25 : i32
    "tpu.region"() ({
      %run_scoped3A_49 = tpu.sem_alloc : memref<!tpu.dma_semaphore, #tpu.memory_space<semaphore_mem>>
      %dma_start3A = arith.constant 0 : i32
      %dma_start3A_50 = tpu.memref_slice %arg9[%add3A_26, %dma_start3A] : memref<10240x128xf32, #tpu.memory_space<vmem_shared>> -> memref<128x128xf32, #tpu.memory_space<vmem_shared>>
      %dma_start3A_51 = arith.constant 0 : i32
      %dma_start3A_52 = tpu.memref_slice %arg9[%add3A_26, %dma_start3A_51] : memref<10240x128xf32, #tpu.memory_space<vmem_shared>> -> memref<128x128xf32, #tpu.memory_space<vmem_shared>>
      tpu.enqueue_dma source(%arg8 : memref<128x128xf32, #tpu.memory_space<vmem>>) target(%dma_start3A_52 : memref<128x128xf32, #tpu.memory_space<vmem_shared>>) target_semaphore(%run_scoped3A_49 : memref<!tpu.dma_semaphore, #tpu.memory_space<semaphore_mem>>)
      %dma_wait3A = arith.constant 0 : i32
      %dma_wait3A_53 = tpu.memref_slice %arg9[%add3A_26, %dma_wait3A] : memref<10240x128xf32, #tpu.memory_space<vmem_shared>> -> memref<128x128xf32, #tpu.memory_space<vmem_shared>>
      %dma_wait3A_54 = arith.constant 0 : i32
      %dma_wait3A_55 = tpu.memref_slice %arg9[%add3A_26, %dma_wait3A_54] : memref<10240x128xf32, #tpu.memory_space<vmem_shared>> -> memref<128x128xf32, #tpu.memory_space<vmem_shared>>
      tpu.wait_dma2 semaphore(%run_scoped3A_49 : memref<!tpu.dma_semaphore, #tpu.memory_space<semaphore_mem>>) src(%arg8 : memref<128x128xf32, #tpu.memory_space<vmem>>) dst(%dma_wait3A_55 : memref<128x128xf32, #tpu.memory_space<vmem_shared>>)
      tpu.yield
    }) : () -> ()
    %barrier3A = arith.constant 0 : index
    tpu.barrier barrier_id(%barrier3A)
    %run_scoped3A = arith.constant 0 : i32
    "tpu.region"() ({
      %run_scoped3A_49 = tpu.sem_alloc : memref<!tpu.dma_semaphore, #tpu.memory_space<semaphore_mem>>
      %dma_start3A = arith.constant 0 : i32
      %dma_start3A_50 = arith.constant 0 : i32
      %dma_start3A_51 = tpu.memref_slice %arg3[%add3A, %run_scoped3A, %dma_start3A, %dma_start3A_50] : memref<32x2x40x128xi32, #tpu.memory_space<hbm>> -> memref<1x1x40x128xi32, #tpu.memory_space<hbm>>
      %dma_start3A_52 = tpu.memref_squeeze %dma_start3A_51 : memref<1x1x40x128xi32, #tpu.memory_space<hbm>> -> memref<40x128xi32, #tpu.memory_space<hbm>>
      %dma_start3A_53 = arith.constant 0 : i32
      %dma_start3A_54 = arith.constant 0 : i32
      %dma_start3A_55 = tpu.memref_slice %arg3[%add3A, %run_scoped3A, %dma_start3A_53, %dma_start3A_54] : memref<32x2x40x128xi32, #tpu.memory_space<hbm>> -> memref<1x1x40x128xi32, #tpu.memory_space<hbm>>
      %dma_start3A_56 = tpu.memref_squeeze %dma_start3A_55 : memref<1x1x40x128xi32, #tpu.memory_space<hbm>> -> memref<40x128xi32, #tpu.memory_space<hbm>>
      tpu.enqueue_dma source(%dma_start3A_56 : memref<40x128xi32, #tpu.memory_space<hbm>>) target(%arg6 : memref<40x128xi32, #tpu.memory_space<vmem>>) target_semaphore(%run_scoped3A_49 : memref<!tpu.dma_semaphore, #tpu.memory_space<semaphore_mem>>)
      %dma_wait3A = arith.constant 0 : i32
      %dma_wait3A_57 = arith.constant 0 : i32
      %dma_wait3A_58 = tpu.memref_slice %arg3[%add3A, %run_scoped3A, %dma_wait3A, %dma_wait3A_57] : memref<32x2x40x128xi32, #tpu.memory_space<hbm>> -> memref<1x1x40x128xi32, #tpu.memory_space<hbm>>
      %dma_wait3A_59 = tpu.memref_squeeze %dma_wait3A_58 : memref<1x1x40x128xi32, #tpu.memory_space<hbm>> -> memref<40x128xi32, #tpu.memory_space<hbm>>
      %dma_wait3A_60 = arith.constant 0 : i32
      %dma_wait3A_61 = arith.constant 0 : i32
      %dma_wait3A_62 = tpu.memref_slice %arg3[%add3A, %run_scoped3A, %dma_wait3A_60, %dma_wait3A_61] : memref<32x2x40x128xi32, #tpu.memory_space<hbm>> -> memref<1x1x40x128xi32, #tpu.memory_space<hbm>>
      %dma_wait3A_63 = tpu.memref_squeeze %dma_wait3A_62 : memref<1x1x40x128xi32, #tpu.memory_space<hbm>> -> memref<40x128xi32, #tpu.memory_space<hbm>>
      tpu.wait_dma2 semaphore(%run_scoped3A_49 : memref<!tpu.dma_semaphore, #tpu.memory_space<semaphore_mem>>) src(%dma_wait3A_63 : memref<40x128xi32, #tpu.memory_space<hbm>>) dst(%arg6 : memref<40x128xi32, #tpu.memory_space<vmem>>)
      tpu.yield
    }) : () -> ()
    %run_scoped3A_27 = arith.constant 0 : i32
    "tpu.region"() ({
      %run_scoped3A_49 = tpu.sem_alloc : memref<!tpu.dma_semaphore, #tpu.memory_space<semaphore_mem>>
      %dma_start3A = arith.constant 0 : i32
      %dma_start3A_50 = arith.constant 0 : i32
      %dma_start3A_51 = tpu.memref_slice %arg4[%add3A, %run_scoped3A_27, %dma_start3A, %dma_start3A_50] : memref<32x2x40x128xi32, #tpu.memory_space<hbm>> -> memref<1x1x40x128xi32, #tpu.memory_space<hbm>>
      %dma_start3A_52 = tpu.memref_squeeze %dma_start3A_51 : memref<1x1x40x128xi32, #tpu.memory_space<hbm>> -> memref<40x128xi32, #tpu.memory_space<hbm>>
      %dma_start3A_53 = arith.constant 0 : i32
      %dma_start3A_54 = arith.constant 0 : i32
      %dma_start3A_55 = tpu.memref_slice %arg4[%add3A, %run_scoped3A_27, %dma_start3A_53, %dma_start3A_54] : memref<32x2x40x128xi32, #tpu.memory_space<hbm>> -> memref<1x1x40x128xi32, #tpu.memory_space<hbm>>
      %dma_start3A_56 = tpu.memref_squeeze %dma_start3A_55 : memref<1x1x40x128xi32, #tpu.memory_space<hbm>> -> memref<40x128xi32, #tpu.memory_space<hbm>>
      tpu.enqueue_dma source(%dma_start3A_56 : memref<40x128xi32, #tpu.memory_space<hbm>>) target(%arg7 : memref<40x128xi32, #tpu.memory_space<vmem>>) target_semaphore(%run_scoped3A_49 : memref<!tpu.dma_semaphore, #tpu.memory_space<semaphore_mem>>)
      %dma_wait3A = arith.constant 0 : i32
      %dma_wait3A_57 = arith.constant 0 : i32
      %dma_wait3A_58 = tpu.memref_slice %arg4[%add3A, %run_scoped3A_27, %dma_wait3A, %dma_wait3A_57] : memref<32x2x40x128xi32, #tpu.memory_space<hbm>> -> memref<1x1x40x128xi32, #tpu.memory_space<hbm>>
      %dma_wait3A_59 = tpu.memref_squeeze %dma_wait3A_58 : memref<1x1x40x128xi32, #tpu.memory_space<hbm>> -> memref<40x128xi32, #tpu.memory_space<hbm>>
      %dma_wait3A_60 = arith.constant 0 : i32
      %dma_wait3A_61 = arith.constant 0 : i32
      %dma_wait3A_62 = tpu.memref_slice %arg4[%add3A, %run_scoped3A_27, %dma_wait3A_60, %dma_wait3A_61] : memref<32x2x40x128xi32, #tpu.memory_space<hbm>> -> memref<1x1x40x128xi32, #tpu.memory_space<hbm>>
      %dma_wait3A_63 = tpu.memref_squeeze %dma_wait3A_62 : memref<1x1x40x128xi32, #tpu.memory_space<hbm>> -> memref<40x128xi32, #tpu.memory_space<hbm>>
      tpu.wait_dma2 semaphore(%run_scoped3A_49 : memref<!tpu.dma_semaphore, #tpu.memory_space<semaphore_mem>>) src(%dma_wait3A_63 : memref<40x128xi32, #tpu.memory_space<hbm>>) dst(%arg7 : memref<40x128xi32, #tpu.memory_space<vmem>>)
      tpu.yield
    }) : () -> ()
    %scan3A_28 = arith.constant 0 : i32
    %scan3A_29 = arith.constant 0 : i32
    %scan3A_30 = arith.constant 40 : i32
    %scan3A_31 = arith.addi %scan3A_29, %scan3A_30 : i32
    %scan3A_32 = arith.constant 1 : i32
    %scan3A_33 = scf.for %scan3A_49 = %scan3A_29 to %scan3A_31 step %scan3A_32 iter_args(%scan3A_50 = %scan3A_28) -> (i32)  : i32 {
      %dma_start3A = arith.constant 0 : i32
      %dma_start3A_51 = tpu.memref_slice %arg6[%scan3A_49, %dma_start3A] : memref<40x128xi32, #tpu.memory_space<vmem>> -> memref<1x128xi32, #tpu.memory_space<vmem>>
      %dma_start3A_52 = tpu.memref_squeeze %dma_start3A_51 : memref<1x128xi32, #tpu.memory_space<vmem>> -> memref<128xi32, #tpu.memory_space<vmem>>
      %dma_start3A_53 = arith.constant 0 : i32
      %dma_start3A_54 = arith.constant 0 : i32
      %dma_start3A_55 = tpu.memref_slice %arg2[%dma_start3A_53, %dma_start3A_54] : memref<10240x128xf32, #tpu.memory_space<hbm>> -> memref<10240x128xf32, #tpu.memory_space<hbm>>
      tpu.enqueue_indirect_dma source(%dma_start3A_55 : memref<10240x128xf32, #tpu.memory_space<hbm>>) target(%arg8 : memref<128x128xf32, #tpu.memory_space<vmem>>) offsets(%dma_start3A_52 : memref<128xi32, #tpu.memory_space<vmem>>) semaphore(%arg10 : memref<!tpu.dma_semaphore, #tpu.memory_space<semaphore_mem>>)
      %dma_wait3A = arith.constant 0 : i32
      %dma_wait3A_56 = tpu.memref_slice %arg6[%scan3A_49, %dma_wait3A] : memref<40x128xi32, #tpu.memory_space<vmem>> -> memref<1x128xi32, #tpu.memory_space<vmem>>
      %dma_wait3A_57 = tpu.memref_squeeze %dma_wait3A_56 : memref<1x128xi32, #tpu.memory_space<vmem>> -> memref<128xi32, #tpu.memory_space<vmem>>
      %dma_wait3A_58 = arith.constant 0 : i32
      %dma_wait3A_59 = arith.constant 0 : i32
      %dma_wait3A_60 = tpu.memref_slice %arg2[%dma_wait3A_58, %dma_wait3A_59] : memref<10240x128xf32, #tpu.memory_space<hbm>> -> memref<10240x128xf32, #tpu.memory_space<hbm>>
      tpu.wait_indirect_dma semaphore(%arg10 : memref<!tpu.dma_semaphore, #tpu.memory_space<semaphore_mem>>) src(%dma_wait3A_60 : memref<10240x128xf32, #tpu.memory_space<hbm>>) dst(%arg8 : memref<128x128xf32, #tpu.memory_space<vmem>>)
      %dma_start3A_61 = arith.constant 0 : i32
      %dma_start3A_62 = tpu.memref_slice %arg7[%scan3A_49, %dma_start3A_61] : memref<40x128xi32, #tpu.memory_space<vmem>> -> memref<1x128xi32, #tpu.memory_space<vmem>>
      %dma_start3A_63 = tpu.memref_squeeze %dma_start3A_62 : memref<1x128xi32, #tpu.memory_space<vmem>> -> memref<128xi32, #tpu.memory_space<vmem>>
      %dma_start3A_64 = arith.constant 0 : i32
      %dma_start3A_65 = arith.constant 0 : i32
      %dma_start3A_66 = tpu.memref_slice %arg9[%dma_start3A_64, %dma_start3A_65] : memref<10240x128xf32, #tpu.memory_space<vmem_shared>> -> memref<10240x128xf32, #tpu.memory_space<vmem_shared>>
      tpu.enqueue_indirect_dma source(%arg8 : memref<128x128xf32, #tpu.memory_space<vmem>>) target(%dma_start3A_66 : memref<10240x128xf32, #tpu.memory_space<vmem_shared>>) offsets(%dma_start3A_63 : memref<128xi32, #tpu.memory_space<vmem>>) semaphore(%arg11 : memref<!tpu.dma_semaphore, #tpu.memory_space<semaphore_mem>>) {add = true}
      %dma_wait3A_67 = arith.constant 0 : i32
      %dma_wait3A_68 = tpu.memref_slice %arg7[%scan3A_49, %dma_wait3A_67] : memref<40x128xi32, #tpu.memory_space<vmem>> -> memref<1x128xi32, #tpu.memory_space<vmem>>
      %dma_wait3A_69 = tpu.memref_squeeze %dma_wait3A_68 : memref<1x128xi32, #tpu.memory_space<vmem>> -> memref<128xi32, #tpu.memory_space<vmem>>
      %dma_wait3A_70 = arith.constant 0 : i32
      %dma_wait3A_71 = arith.constant 0 : i32
      %dma_wait3A_72 = tpu.memref_slice %arg9[%dma_wait3A_70, %dma_wait3A_71] : memref<10240x128xf32, #tpu.memory_space<vmem_shared>> -> memref<10240x128xf32, #tpu.memory_space<vmem_shared>>
      tpu.wait_indirect_dma semaphore(%arg11 : memref<!tpu.dma_semaphore, #tpu.memory_space<semaphore_mem>>) src(%arg8 : memref<128x128xf32, #tpu.memory_space<vmem>>) dst(%dma_wait3A_72 : memref<10240x128xf32, #tpu.memory_space<vmem_shared>>)
      %scan3A_73 = arith.constant 0 : i32
      scf.yield %scan3A_73 : i32
    }
    %scan3A_34 = arith.constant 40 : i32
    %run_scoped3A_35 = arith.constant 1 : i32
    "tpu.region"() ({
      %run_scoped3A_49 = tpu.sem_alloc : memref<!tpu.dma_semaphore, #tpu.memory_space<semaphore_mem>>
      %dma_start3A = arith.constant 0 : i32
      %dma_start3A_50 = arith.constant 0 : i32
      %dma_start3A_51 = tpu.memref_slice %arg3[%add3A, %run_scoped3A_35, %dma_start3A, %dma_start3A_50] : memref<32x2x40x128xi32, #tpu.memory_space<hbm>> -> memref<1x1x40x128xi32, #tpu.memory_space<hbm>>
      %dma_start3A_52 = tpu.memref_squeeze %dma_start3A_51 : memref<1x1x40x128xi32, #tpu.memory_space<hbm>> -> memref<40x128xi32, #tpu.memory_space<hbm>>
      %dma_start3A_53 = arith.constant 0 : i32
      %dma_start3A_54 = arith.constant 0 : i32
      %dma_start3A_55 = tpu.memref_slice %arg3[%add3A, %run_scoped3A_35, %dma_start3A_53, %dma_start3A_54] : memref<32x2x40x128xi32, #tpu.memory_space<hbm>> -> memref<1x1x40x128xi32, #tpu.memory_space<hbm>>
      %dma_start3A_56 = tpu.memref_squeeze %dma_start3A_55 : memref<1x1x40x128xi32, #tpu.memory_space<hbm>> -> memref<40x128xi32, #tpu.memory_space<hbm>>
      tpu.enqueue_dma source(%dma_start3A_56 : memref<40x128xi32, #tpu.memory_space<hbm>>) target(%arg6 : memref<40x128xi32, #tpu.memory_space<vmem>>) target_semaphore(%run_scoped3A_49 : memref<!tpu.dma_semaphore, #tpu.memory_space<semaphore_mem>>)
      %dma_wait3A = arith.constant 0 : i32
      %dma_wait3A_57 = arith.constant 0 : i32
      %dma_wait3A_58 = tpu.memref_slice %arg3[%add3A, %run_scoped3A_35, %dma_wait3A, %dma_wait3A_57] : memref<32x2x40x128xi32, #tpu.memory_space<hbm>> -> memref<1x1x40x128xi32, #tpu.memory_space<hbm>>
      %dma_wait3A_59 = tpu.memref_squeeze %dma_wait3A_58 : memref<1x1x40x128xi32, #tpu.memory_space<hbm>> -> memref<40x128xi32, #tpu.memory_space<hbm>>
      %dma_wait3A_60 = arith.constant 0 : i32
      %dma_wait3A_61 = arith.constant 0 : i32
      %dma_wait3A_62 = tpu.memref_slice %arg3[%add3A, %run_scoped3A_35, %dma_wait3A_60, %dma_wait3A_61] : memref<32x2x40x128xi32, #tpu.memory_space<hbm>> -> memref<1x1x40x128xi32, #tpu.memory_space<hbm>>
      %dma_wait3A_63 = tpu.memref_squeeze %dma_wait3A_62 : memref<1x1x40x128xi32, #tpu.memory_space<hbm>> -> memref<40x128xi32, #tpu.memory_space<hbm>>
      tpu.wait_dma2 semaphore(%run_scoped3A_49 : memref<!tpu.dma_semaphore, #tpu.memory_space<semaphore_mem>>) src(%dma_wait3A_63 : memref<40x128xi32, #tpu.memory_space<hbm>>) dst(%arg6 : memref<40x128xi32, #tpu.memory_space<vmem>>)
      tpu.yield
    }) : () -> ()
    %run_scoped3A_36 = arith.constant 1 : i32
    "tpu.region"() ({
      %run_scoped3A_49 = tpu.sem_alloc : memref<!tpu.dma_semaphore, #tpu.memory_space<semaphore_mem>>
      %dma_start3A = arith.constant 0 : i32
      %dma_start3A_50 = arith.constant 0 : i32
      %dma_start3A_51 = tpu.memref_slice %arg4[%add3A, %run_scoped3A_36, %dma_start3A, %dma_start3A_50] : memref<32x2x40x128xi32, #tpu.memory_space<hbm>> -> memref<1x1x40x128xi32, #tpu.memory_space<hbm>>
      %dma_start3A_52 = tpu.memref_squeeze %dma_start3A_51 : memref<1x1x40x128xi32, #tpu.memory_space<hbm>> -> memref<40x128xi32, #tpu.memory_space<hbm>>
      %dma_start3A_53 = arith.constant 0 : i32
      %dma_start3A_54 = arith.constant 0 : i32
      %dma_start3A_55 = tpu.memref_slice %arg4[%add3A, %run_scoped3A_36, %dma_start3A_53, %dma_start3A_54] : memref<32x2x40x128xi32, #tpu.memory_space<hbm>> -> memref<1x1x40x128xi32, #tpu.memory_space<hbm>>
      %dma_start3A_56 = tpu.memref_squeeze %dma_start3A_55 : memref<1x1x40x128xi32, #tpu.memory_space<hbm>> -> memref<40x128xi32, #tpu.memory_space<hbm>>
      tpu.enqueue_dma source(%dma_start3A_56 : memref<40x128xi32, #tpu.memory_space<hbm>>) target(%arg7 : memref<40x128xi32, #tpu.memory_space<vmem>>) target_semaphore(%run_scoped3A_49 : memref<!tpu.dma_semaphore, #tpu.memory_space<semaphore_mem>>)
      %dma_wait3A = arith.constant 0 : i32
      %dma_wait3A_57 = arith.constant 0 : i32
      %dma_wait3A_58 = tpu.memref_slice %arg4[%add3A, %run_scoped3A_36, %dma_wait3A, %dma_wait3A_57] : memref<32x2x40x128xi32, #tpu.memory_space<hbm>> -> memref<1x1x40x128xi32, #tpu.memory_space<hbm>>
      %dma_wait3A_59 = tpu.memref_squeeze %dma_wait3A_58 : memref<1x1x40x128xi32, #tpu.memory_space<hbm>> -> memref<40x128xi32, #tpu.memory_space<hbm>>
      %dma_wait3A_60 = arith.constant 0 : i32
      %dma_wait3A_61 = arith.constant 0 : i32
      %dma_wait3A_62 = tpu.memref_slice %arg4[%add3A, %run_scoped3A_36, %dma_wait3A_60, %dma_wait3A_61] : memref<32x2x40x128xi32, #tpu.memory_space<hbm>> -> memref<1x1x40x128xi32, #tpu.memory_space<hbm>>
      %dma_wait3A_63 = tpu.memref_squeeze %dma_wait3A_62 : memref<1x1x40x128xi32, #tpu.memory_space<hbm>> -> memref<40x128xi32, #tpu.memory_space<hbm>>
      tpu.wait_dma2 semaphore(%run_scoped3A_49 : memref<!tpu.dma_semaphore, #tpu.memory_space<semaphore_mem>>) src(%dma_wait3A_63 : memref<40x128xi32, #tpu.memory_space<hbm>>) dst(%arg7 : memref<40x128xi32, #tpu.memory_space<vmem>>)
      tpu.yield
    }) : () -> ()
    %scan3A_37 = arith.constant 0 : i32
    %scan3A_38 = arith.constant 0 : i32
    %scan3A_39 = arith.constant 40 : i32
    %scan3A_40 = arith.addi %scan3A_38, %scan3A_39 : i32
    %scan3A_41 = arith.constant 1 : i32
    %scan3A_42 = scf.for %scan3A_49 = %scan3A_38 to %scan3A_40 step %scan3A_41 iter_args(%scan3A_50 = %scan3A_37) -> (i32)  : i32 {
      %dma_start3A = arith.constant 0 : i32
      %dma_start3A_51 = tpu.memref_slice %arg6[%scan3A_49, %dma_start3A] : memref<40x128xi32, #tpu.memory_space<vmem>> -> memref<1x128xi32, #tpu.memory_space<vmem>>
      %dma_start3A_52 = tpu.memref_squeeze %dma_start3A_51 : memref<1x128xi32, #tpu.memory_space<vmem>> -> memref<128xi32, #tpu.memory_space<vmem>>
      %dma_start3A_53 = arith.constant 0 : i32
      %dma_start3A_54 = arith.constant 0 : i32
      %dma_start3A_55 = tpu.memref_slice %arg2[%dma_start3A_53, %dma_start3A_54] : memref<10240x128xf32, #tpu.memory_space<hbm>> -> memref<10240x128xf32, #tpu.memory_space<hbm>>
      tpu.enqueue_indirect_dma source(%dma_start3A_55 : memref<10240x128xf32, #tpu.memory_space<hbm>>) target(%arg8 : memref<128x128xf32, #tpu.memory_space<vmem>>) offsets(%dma_start3A_52 : memref<128xi32, #tpu.memory_space<vmem>>) semaphore(%arg10 : memref<!tpu.dma_semaphore, #tpu.memory_space<semaphore_mem>>)
      %dma_wait3A = arith.constant 0 : i32
      %dma_wait3A_56 = tpu.memref_slice %arg6[%scan3A_49, %dma_wait3A] : memref<40x128xi32, #tpu.memory_space<vmem>> -> memref<1x128xi32, #tpu.memory_space<vmem>>
      %dma_wait3A_57 = tpu.memref_squeeze %dma_wait3A_56 : memref<1x128xi32, #tpu.memory_space<vmem>> -> memref<128xi32, #tpu.memory_space<vmem>>
      %dma_wait3A_58 = arith.constant 0 : i32
      %dma_wait3A_59 = arith.constant 0 : i32
      %dma_wait3A_60 = tpu.memref_slice %arg2[%dma_wait3A_58, %dma_wait3A_59] : memref<10240x128xf32, #tpu.memory_space<hbm>> -> memref<10240x128xf32, #tpu.memory_space<hbm>>
      tpu.wait_indirect_dma semaphore(%arg10 : memref<!tpu.dma_semaphore, #tpu.memory_space<semaphore_mem>>) src(%dma_wait3A_60 : memref<10240x128xf32, #tpu.memory_space<hbm>>) dst(%arg8 : memref<128x128xf32, #tpu.memory_space<vmem>>)
      %dma_start3A_61 = arith.constant 0 : i32
      %dma_start3A_62 = tpu.memref_slice %arg7[%scan3A_49, %dma_start3A_61] : memref<40x128xi32, #tpu.memory_space<vmem>> -> memref<1x128xi32, #tpu.memory_space<vmem>>
      %dma_start3A_63 = tpu.memref_squeeze %dma_start3A_62 : memref<1x128xi32, #tpu.memory_space<vmem>> -> memref<128xi32, #tpu.memory_space<vmem>>
      %dma_start3A_64 = arith.constant 0 : i32
      %dma_start3A_65 = arith.constant 0 : i32
      %dma_start3A_66 = tpu.memref_slice %arg9[%dma_start3A_64, %dma_start3A_65] : memref<10240x128xf32, #tpu.memory_space<vmem_shared>> -> memref<10240x128xf32, #tpu.memory_space<vmem_shared>>
      tpu.enqueue_indirect_dma source(%arg8 : memref<128x128xf32, #tpu.memory_space<vmem>>) target(%dma_start3A_66 : memref<10240x128xf32, #tpu.memory_space<vmem_shared>>) offsets(%dma_start3A_63 : memref<128xi32, #tpu.memory_space<vmem>>) semaphore(%arg11 : memref<!tpu.dma_semaphore, #tpu.memory_space<semaphore_mem>>) {add = true}
      %dma_wait3A_67 = arith.constant 0 : i32
      %dma_wait3A_68 = tpu.memref_slice %arg7[%scan3A_49, %dma_wait3A_67] : memref<40x128xi32, #tpu.memory_space<vmem>> -> memref<1x128xi32, #tpu.memory_space<vmem>>
      %dma_wait3A_69 = tpu.memref_squeeze %dma_wait3A_68 : memref<1x128xi32, #tpu.memory_space<vmem>> -> memref<128xi32, #tpu.memory_space<vmem>>
      %dma_wait3A_70 = arith.constant 0 : i32
      %dma_wait3A_71 = arith.constant 0 : i32
      %dma_wait3A_72 = tpu.memref_slice %arg9[%dma_wait3A_70, %dma_wait3A_71] : memref<10240x128xf32, #tpu.memory_space<vmem_shared>> -> memref<10240x128xf32, #tpu.memory_space<vmem_shared>>
      tpu.wait_indirect_dma semaphore(%arg11 : memref<!tpu.dma_semaphore, #tpu.memory_space<semaphore_mem>>) src(%arg8 : memref<128x128xf32, #tpu.memory_space<vmem>>) dst(%dma_wait3A_72 : memref<10240x128xf32, #tpu.memory_space<vmem_shared>>)
      %scan3A_73 = arith.constant 0 : i32
      scf.yield %scan3A_73 : i32
    }
    %scan3A_43 = arith.constant 40 : i32
    %barrier3A_44 = arith.constant 0 : index
    tpu.barrier barrier_id(%barrier3A_44)
    %mul3A_45 = arith.constant 640 : i32
    %mul3A_46 = arith.muli %arg1, %mul3A_45 : i32
    %mul3A_47 = arith.constant 640 : i32
    %mul3A_48 = arith.muli %arg1, %mul3A_47 : i32
    "tpu.region"() ({
      %run_scoped3A_49 = tpu.sem_alloc : memref<!tpu.dma_semaphore, #tpu.memory_space<semaphore_mem>>
      %dma_start3A = arith.constant 0 : i32
      %dma_start3A_50 = tpu.memref_slice %arg5[%arg0, %mul3A_48, %dma_start3A] : memref<2x10240x128xf32, #tpu.memory_space<hbm>> -> memref<1x640x128xf32, #tpu.memory_space<hbm>>
      %dma_start3A_51 = tpu.memref_squeeze %dma_start3A_50 : memref<1x640x128xf32, #tpu.memory_space<hbm>> -> memref<640x128xf32, #tpu.memory_space<hbm>>
      %dma_start3A_52 = arith.constant 0 : i32
      %dma_start3A_53 = tpu.memref_slice %arg9[%mul3A_46, %dma_start3A_52] : memref<10240x128xf32, #tpu.memory_space<vmem_shared>> -> memref<640x128xf32, #tpu.memory_space<vmem_shared>>
      tpu.enqueue_dma source(%dma_start3A_53 : memref<640x128xf32, #tpu.memory_space<vmem_shared>>) target(%dma_start3A_51 : memref<640x128xf32, #tpu.memory_space<hbm>>) target_semaphore(%run_scoped3A_49 : memref<!tpu.dma_semaphore, #tpu.memory_space<semaphore_mem>>)
      %dma_wait3A = arith.constant 0 : i32
      %dma_wait3A_54 = tpu.memref_slice %arg5[%arg0, %mul3A_48, %dma_wait3A] : memref<2x10240x128xf32, #tpu.memory_space<hbm>> -> memref<1x640x128xf32, #tpu.memory_space<hbm>>
      %dma_wait3A_55 = tpu.memref_squeeze %dma_wait3A_54 : memref<1x640x128xf32, #tpu.memory_space<hbm>> -> memref<640x128xf32, #tpu.memory_space<hbm>>
      %dma_wait3A_56 = arith.constant 0 : i32
      %dma_wait3A_57 = tpu.memref_slice %arg9[%mul3A_46, %dma_wait3A_56] : memref<10240x128xf32, #tpu.memory_space<vmem_shared>> -> memref<640x128xf32, #tpu.memory_space<vmem_shared>>
      tpu.wait_dma2 semaphore(%run_scoped3A_49 : memref<!tpu.dma_semaphore, #tpu.memory_space<semaphore_mem>>) src(%dma_wait3A_57 : memref<640x128xf32, #tpu.memory_space<vmem_shared>>) dst(%dma_wait3A_55 : memref<640x128xf32, #tpu.memory_space<hbm>>)
      tpu.yield
    }) : () -> ()
    return
  }
}

#map = affine_map<(d0, d1) -> (0, 0, 0, 0)>
#map1 = affine_map<(d0, d1) -> (0, 0, 0)>
module attributes {stable_mosaic.version = 14 : i64} {
  func.func @_count_body(%arg0: i32, %arg1: i32, %arg2: memref<32x2x40x128xi32, #tpu.memory_space<hbm>>, %arg3: memref<2x10240x16xf32, #tpu.memory_space<hbm>>, %arg4: memref<40x128xi32, #tpu.memory_space<vmem>>, %arg5: memref<128x16xf32, #tpu.memory_space<vmem>>, %arg6: memref<128x16xf32, #tpu.memory_space<vmem>>, %arg7: memref<10240x16xf32, #tpu.memory_space<vmem_shared>>, %arg8: memref<!tpu.dma_semaphore, #tpu.memory_space<semaphore_mem>>) attributes {dimension_semantics = [#tpu.dimension_semantics<core_parallel>, #tpu.dimension_semantics<subcore_parallel>], iteration_bounds = array<i64: 2, 16>, scalar_prefetch = 0 : i64, scratch_operands = 5 : i64, tpu.core_type = #tpu.core_type<sc_vector_subcore>, window_params = [{transform_indices = #map}, {transform_indices = #map1}]} {
    %mul3A = arith.constant 16 : i32
    %mul3A_0 = arith.muli %arg0, %mul3A : i32
    %add3A = arith.addi %mul3A_0, %arg1 : i32
    %scan3A = arith.constant 0 : i32
    %scan3A_1 = arith.constant 0 : i32
    %scan3A_2 = arith.constant 128 : i32
    %scan3A_3 = arith.addi %scan3A_1, %scan3A_2 : i32
    %scan3A_4 = arith.constant 1 : i32
    %scan3A_5 = scf.for %scan3A_47 = %scan3A_1 to %scan3A_3 step %scan3A_4 iter_args(%scan3A_48 = %scan3A) -> (i32)  : i32 {
      %broadcast_in_dim3A = arith.constant 1.000000e+00 : f32
      %broadcast_in_dim3A_49 = vector.broadcast %broadcast_in_dim3A : f32 to vector<16xf32>
      %swap3A = arith.index_cast %scan3A_47 : i32 to index
      %swap3A_50 = arith.constant 0 : index
      %swap3A_51 = tpu.vector_load %arg5[%swap3A, %swap3A_50] {strides = array<i32>} : memref<128x16xf32, #tpu.memory_space<vmem>>, vector<1x16xf32>,
      %swap3A_52 = vector.shape_cast %swap3A_51 : vector<1x16xf32> to vector<16xf32>
      %swap3A_53 = vector.shape_cast %broadcast_in_dim3A_49 : vector<16xf32> to vector<1x16xf32>
      tpu.vector_store %arg5[%swap3A, %swap3A_50], %swap3A_53 {strides = array<i32>} : memref<128x16xf32, #tpu.memory_space<vmem>>, vector<1x16xf32>,
      %broadcast_in_dim3A_54 = arith.constant 0.000000e+00 : f32
      %broadcast_in_dim3A_55 = vector.broadcast %broadcast_in_dim3A_54 : f32 to vector<16xf32>
      %swap3A_56 = arith.index_cast %scan3A_47 : i32 to index
      %swap3A_57 = arith.constant 0 : index
      %swap3A_58 = tpu.vector_load %arg6[%swap3A_56, %swap3A_57] {strides = array<i32>} : memref<128x16xf32, #tpu.memory_space<vmem>>, vector<1x16xf32>,
      %swap3A_59 = vector.shape_cast %swap3A_58 : vector<1x16xf32> to vector<16xf32>
      %swap3A_60 = vector.shape_cast %broadcast_in_dim3A_55 : vector<16xf32> to vector<1x16xf32>
      tpu.vector_store %arg6[%swap3A_56, %swap3A_57], %swap3A_60 {strides = array<i32>} : memref<128x16xf32, #tpu.memory_space<vmem>>, vector<1x16xf32>,
      %scan3A_61 = arith.constant 0 : i32
      scf.yield %scan3A_61 : i32
    }
    %scan3A_6 = arith.constant 128 : i32
    %mul3A_7 = arith.constant 640 : i32
    %mul3A_8 = arith.muli %arg1, %mul3A_7 : i32
    %add3A_9 = arith.constant 0 : i32
    %add3A_10 = arith.addi %mul3A_8, %add3A_9 : i32
    "tpu.region"() ({
      %run_scoped3A_47 = tpu.sem_alloc : memref<!tpu.dma_semaphore, #tpu.memory_space<semaphore_mem>>
      %dma_start3A = arith.constant 0 : i32
      %dma_start3A_48 = tpu.memref_slice %arg7[%add3A_10, %dma_start3A] : memref<10240x16xf32, #tpu.memory_space<vmem_shared>> -> memref<128x16xf32, #tpu.memory_space<vmem_shared>>
      %dma_start3A_49 = arith.constant 0 : i32
      %dma_start3A_50 = tpu.memref_slice %arg7[%add3A_10, %dma_start3A_49] : memref<10240x16xf32, #tpu.memory_space<vmem_shared>> -> memref<128x16xf32, #tpu.memory_space<vmem_shared>>
      tpu.enqueue_dma source(%arg6 : memref<128x16xf32, #tpu.memory_space<vmem>>) target(%dma_start3A_50 : memref<128x16xf32, #tpu.memory_space<vmem_shared>>) target_semaphore(%run_scoped3A_47 : memref<!tpu.dma_semaphore, #tpu.memory_space<semaphore_mem>>)
      %dma_wait3A = arith.constant 0 : i32
      %dma_wait3A_51 = tpu.memref_slice %arg7[%add3A_10, %dma_wait3A] : memref<10240x16xf32, #tpu.memory_space<vmem_shared>> -> memref<128x16xf32, #tpu.memory_space<vmem_shared>>
      %dma_wait3A_52 = arith.constant 0 : i32
      %dma_wait3A_53 = tpu.memref_slice %arg7[%add3A_10, %dma_wait3A_52] : memref<10240x16xf32, #tpu.memory_space<vmem_shared>> -> memref<128x16xf32, #tpu.memory_space<vmem_shared>>
      tpu.wait_dma2 semaphore(%run_scoped3A_47 : memref<!tpu.dma_semaphore, #tpu.memory_space<semaphore_mem>>) src(%arg6 : memref<128x16xf32, #tpu.memory_space<vmem>>) dst(%dma_wait3A_53 : memref<128x16xf32, #tpu.memory_space<vmem_shared>>)
      tpu.yield
    }) : () -> ()
    %mul3A_11 = arith.constant 640 : i32
    %mul3A_12 = arith.muli %arg1, %mul3A_11 : i32
    %add3A_13 = arith.constant 128 : i32
    %add3A_14 = arith.addi %mul3A_12, %add3A_13 : i32
    "tpu.region"() ({
      %run_scoped3A_47 = tpu.sem_alloc : memref<!tpu.dma_semaphore, #tpu.memory_space<semaphore_mem>>
      %dma_start3A = arith.constant 0 : i32
      %dma_start3A_48 = tpu.memref_slice %arg7[%add3A_14, %dma_start3A] : memref<10240x16xf32, #tpu.memory_space<vmem_shared>> -> memref<128x16xf32, #tpu.memory_space<vmem_shared>>
      %dma_start3A_49 = arith.constant 0 : i32
      %dma_start3A_50 = tpu.memref_slice %arg7[%add3A_14, %dma_start3A_49] : memref<10240x16xf32, #tpu.memory_space<vmem_shared>> -> memref<128x16xf32, #tpu.memory_space<vmem_shared>>
      tpu.enqueue_dma source(%arg6 : memref<128x16xf32, #tpu.memory_space<vmem>>) target(%dma_start3A_50 : memref<128x16xf32, #tpu.memory_space<vmem_shared>>) target_semaphore(%run_scoped3A_47 : memref<!tpu.dma_semaphore, #tpu.memory_space<semaphore_mem>>)
      %dma_wait3A = arith.constant 0 : i32
      %dma_wait3A_51 = tpu.memref_slice %arg7[%add3A_14, %dma_wait3A] : memref<10240x16xf32, #tpu.memory_space<vmem_shared>> -> memref<128x16xf32, #tpu.memory_space<vmem_shared>>
      %dma_wait3A_52 = arith.constant 0 : i32
      %dma_wait3A_53 = tpu.memref_slice %arg7[%add3A_14, %dma_wait3A_52] : memref<10240x16xf32, #tpu.memory_space<vmem_shared>> -> memref<128x16xf32, #tpu.memory_space<vmem_shared>>
      tpu.wait_dma2 semaphore(%run_scoped3A_47 : memref<!tpu.dma_semaphore, #tpu.memory_space<semaphore_mem>>) src(%arg6 : memref<128x16xf32, #tpu.memory_space<vmem>>) dst(%dma_wait3A_53 : memref<128x16xf32, #tpu.memory_space<vmem_shared>>)
      tpu.yield
    }) : () -> ()
    %mul3A_15 = arith.constant 640 : i32
    %mul3A_16 = arith.muli %arg1, %mul3A_15 : i32
    %add3A_17 = arith.constant 256 : i32
    %add3A_18 = arith.addi %mul3A_16, %add3A_17 : i32
    "tpu.region"() ({
      %run_scoped3A_47 = tpu.sem_alloc : memref<!tpu.dma_semaphore, #tpu.memory_space<semaphore_mem>>
      %dma_start3A = arith.constant 0 : i32
      %dma_start3A_48 = tpu.memref_slice %arg7[%add3A_18, %dma_start3A] : memref<10240x16xf32, #tpu.memory_space<vmem_shared>> -> memref<128x16xf32, #tpu.memory_space<vmem_shared>>
      %dma_start3A_49 = arith.constant 0 : i32
      %dma_start3A_50 = tpu.memref_slice %arg7[%add3A_18, %dma_start3A_49] : memref<10240x16xf32, #tpu.memory_space<vmem_shared>> -> memref<128x16xf32, #tpu.memory_space<vmem_shared>>
      tpu.enqueue_dma source(%arg6 : memref<128x16xf32, #tpu.memory_space<vmem>>) target(%dma_start3A_50 : memref<128x16xf32, #tpu.memory_space<vmem_shared>>) target_semaphore(%run_scoped3A_47 : memref<!tpu.dma_semaphore, #tpu.memory_space<semaphore_mem>>)
      %dma_wait3A = arith.constant 0 : i32
      %dma_wait3A_51 = tpu.memref_slice %arg7[%add3A_18, %dma_wait3A] : memref<10240x16xf32, #tpu.memory_space<vmem_shared>> -> memref<128x16xf32, #tpu.memory_space<vmem_shared>>
      %dma_wait3A_52 = arith.constant 0 : i32
      %dma_wait3A_53 = tpu.memref_slice %arg7[%add3A_18, %dma_wait3A_52] : memref<10240x16xf32, #tpu.memory_space<vmem_shared>> -> memref<128x16xf32, #tpu.memory_space<vmem_shared>>
      tpu.wait_dma2 semaphore(%run_scoped3A_47 : memref<!tpu.dma_semaphore, #tpu.memory_space<semaphore_mem>>) src(%arg6 : memref<128x16xf32, #tpu.memory_space<vmem>>) dst(%dma_wait3A_53 : memref<128x16xf32, #tpu.memory_space<vmem_shared>>)
      tpu.yield
    }) : () -> ()
    %mul3A_19 = arith.constant 640 : i32
    %mul3A_20 = arith.muli %arg1, %mul3A_19 : i32
    %add3A_21 = arith.constant 384 : i32
    %add3A_22 = arith.addi %mul3A_20, %add3A_21 : i32
    "tpu.region"() ({
      %run_scoped3A_47 = tpu.sem_alloc : memref<!tpu.dma_semaphore, #tpu.memory_space<semaphore_mem>>
      %dma_start3A = arith.constant 0 : i32
      %dma_start3A_48 = tpu.memref_slice %arg7[%add3A_22, %dma_start3A] : memref<10240x16xf32, #tpu.memory_space<vmem_shared>> -> memref<128x16xf32, #tpu.memory_space<vmem_shared>>
      %dma_start3A_49 = arith.constant 0 : i32
      %dma_start3A_50 = tpu.memref_slice %arg7[%add3A_22, %dma_start3A_49] : memref<10240x16xf32, #tpu.memory_space<vmem_shared>> -> memref<128x16xf32, #tpu.memory_space<vmem_shared>>
      tpu.enqueue_dma source(%arg6 : memref<128x16xf32, #tpu.memory_space<vmem>>) target(%dma_start3A_50 : memref<128x16xf32, #tpu.memory_space<vmem_shared>>) target_semaphore(%run_scoped3A_47 : memref<!tpu.dma_semaphore, #tpu.memory_space<semaphore_mem>>)
      %dma_wait3A = arith.constant 0 : i32
      %dma_wait3A_51 = tpu.memref_slice %arg7[%add3A_22, %dma_wait3A] : memref<10240x16xf32, #tpu.memory_space<vmem_shared>> -> memref<128x16xf32, #tpu.memory_space<vmem_shared>>
      %dma_wait3A_52 = arith.constant 0 : i32
      %dma_wait3A_53 = tpu.memref_slice %arg7[%add3A_22, %dma_wait3A_52] : memref<10240x16xf32, #tpu.memory_space<vmem_shared>> -> memref<128x16xf32, #tpu.memory_space<vmem_shared>>
      tpu.wait_dma2 semaphore(%run_scoped3A_47 : memref<!tpu.dma_semaphore, #tpu.memory_space<semaphore_mem>>) src(%arg6 : memref<128x16xf32, #tpu.memory_space<vmem>>) dst(%dma_wait3A_53 : memref<128x16xf32, #tpu.memory_space<vmem_shared>>)
      tpu.yield
    }) : () -> ()
    %mul3A_23 = arith.constant 640 : i32
    %mul3A_24 = arith.muli %arg1, %mul3A_23 : i32
    %add3A_25 = arith.constant 512 : i32
    %add3A_26 = arith.addi %mul3A_24, %add3A_25 : i32
    "tpu.region"() ({
      %run_scoped3A_47 = tpu.sem_alloc : memref<!tpu.dma_semaphore, #tpu.memory_space<semaphore_mem>>
      %dma_start3A = arith.constant 0 : i32
      %dma_start3A_48 = tpu.memref_slice %arg7[%add3A_26, %dma_start3A] : memref<10240x16xf32, #tpu.memory_space<vmem_shared>> -> memref<128x16xf32, #tpu.memory_space<vmem_shared>>
      %dma_start3A_49 = arith.constant 0 : i32
      %dma_start3A_50 = tpu.memref_slice %arg7[%add3A_26, %dma_start3A_49] : memref<10240x16xf32, #tpu.memory_space<vmem_shared>> -> memref<128x16xf32, #tpu.memory_space<vmem_shared>>
      tpu.enqueue_dma source(%arg6 : memref<128x16xf32, #tpu.memory_space<vmem>>) target(%dma_start3A_50 : memref<128x16xf32, #tpu.memory_space<vmem_shared>>) target_semaphore(%run_scoped3A_47 : memref<!tpu.dma_semaphore, #tpu.memory_space<semaphore_mem>>)
      %dma_wait3A = arith.constant 0 : i32
      %dma_wait3A_51 = tpu.memref_slice %arg7[%add3A_26, %dma_wait3A] : memref<10240x16xf32, #tpu.memory_space<vmem_shared>> -> memref<128x16xf32, #tpu.memory_space<vmem_shared>>
      %dma_wait3A_52 = arith.constant 0 : i32
      %dma_wait3A_53 = tpu.memref_slice %arg7[%add3A_26, %dma_wait3A_52] : memref<10240x16xf32, #tpu.memory_space<vmem_shared>> -> memref<128x16xf32, #tpu.memory_space<vmem_shared>>
      tpu.wait_dma2 semaphore(%run_scoped3A_47 : memref<!tpu.dma_semaphore, #tpu.memory_space<semaphore_mem>>) src(%arg6 : memref<128x16xf32, #tpu.memory_space<vmem>>) dst(%dma_wait3A_53 : memref<128x16xf32, #tpu.memory_space<vmem_shared>>)
      tpu.yield
    }) : () -> ()
    %barrier3A = arith.constant 0 : index
    tpu.barrier barrier_id(%barrier3A)
    %run_scoped3A = arith.constant 0 : i32
    "tpu.region"() ({
      %run_scoped3A_47 = tpu.sem_alloc : memref<!tpu.dma_semaphore, #tpu.memory_space<semaphore_mem>>
      %dma_start3A = arith.constant 0 : i32
      %dma_start3A_48 = arith.constant 0 : i32
      %dma_start3A_49 = tpu.memref_slice %arg2[%add3A, %run_scoped3A, %dma_start3A, %dma_start3A_48] : memref<32x2x40x128xi32, #tpu.memory_space<hbm>> -> memref<1x1x40x128xi32, #tpu.memory_space<hbm>>
      %dma_start3A_50 = tpu.memref_squeeze %dma_start3A_49 : memref<1x1x40x128xi32, #tpu.memory_space<hbm>> -> memref<40x128xi32, #tpu.memory_space<hbm>>
      %dma_start3A_51 = arith.constant 0 : i32
      %dma_start3A_52 = arith.constant 0 : i32
      %dma_start3A_53 = tpu.memref_slice %arg2[%add3A, %run_scoped3A, %dma_start3A_51, %dma_start3A_52] : memref<32x2x40x128xi32, #tpu.memory_space<hbm>> -> memref<1x1x40x128xi32, #tpu.memory_space<hbm>>
      %dma_start3A_54 = tpu.memref_squeeze %dma_start3A_53 : memref<1x1x40x128xi32, #tpu.memory_space<hbm>> -> memref<40x128xi32, #tpu.memory_space<hbm>>
      tpu.enqueue_dma source(%dma_start3A_54 : memref<40x128xi32, #tpu.memory_space<hbm>>) target(%arg4 : memref<40x128xi32, #tpu.memory_space<vmem>>) target_semaphore(%run_scoped3A_47 : memref<!tpu.dma_semaphore, #tpu.memory_space<semaphore_mem>>)
      %dma_wait3A = arith.constant 0 : i32
      %dma_wait3A_55 = arith.constant 0 : i32
      %dma_wait3A_56 = tpu.memref_slice %arg2[%add3A, %run_scoped3A, %dma_wait3A, %dma_wait3A_55] : memref<32x2x40x128xi32, #tpu.memory_space<hbm>> -> memref<1x1x40x128xi32, #tpu.memory_space<hbm>>
      %dma_wait3A_57 = tpu.memref_squeeze %dma_wait3A_56 : memref<1x1x40x128xi32, #tpu.memory_space<hbm>> -> memref<40x128xi32, #tpu.memory_space<hbm>>
      %dma_wait3A_58 = arith.constant 0 : i32
      %dma_wait3A_59 = arith.constant 0 : i32
      %dma_wait3A_60 = tpu.memref_slice %arg2[%add3A, %run_scoped3A, %dma_wait3A_58, %dma_wait3A_59] : memref<32x2x40x128xi32, #tpu.memory_space<hbm>> -> memref<1x1x40x128xi32, #tpu.memory_space<hbm>>
      %dma_wait3A_61 = tpu.memref_squeeze %dma_wait3A_60 : memref<1x1x40x128xi32, #tpu.memory_space<hbm>> -> memref<40x128xi32, #tpu.memory_space<hbm>>
      tpu.wait_dma2 semaphore(%run_scoped3A_47 : memref<!tpu.dma_semaphore, #tpu.memory_space<semaphore_mem>>) src(%dma_wait3A_61 : memref<40x128xi32, #tpu.memory_space<hbm>>) dst(%arg4 : memref<40x128xi32, #tpu.memory_space<vmem>>)
      tpu.yield
    }) : () -> ()
    %scan3A_27 = arith.constant 0 : i32
    %scan3A_28 = arith.constant 0 : i32
    %scan3A_29 = arith.constant 40 : i32
    %scan3A_30 = arith.addi %scan3A_28, %scan3A_29 : i32
    %scan3A_31 = arith.constant 1 : i32
    %scan3A_32 = scf.for %scan3A_47 = %scan3A_28 to %scan3A_30 step %scan3A_31 iter_args(%scan3A_48 = %scan3A_27) -> (i32)  : i32 {
      %dma_start3A = arith.constant 0 : i32
      %dma_start3A_49 = tpu.memref_slice %arg4[%scan3A_47, %dma_start3A] : memref<40x128xi32, #tpu.memory_space<vmem>> -> memref<1x128xi32, #tpu.memory_space<vmem>>
      %dma_start3A_50 = tpu.memref_squeeze %dma_start3A_49 : memref<1x128xi32, #tpu.memory_space<vmem>> -> memref<128xi32, #tpu.memory_space<vmem>>
      %dma_start3A_51 = arith.constant 0 : i32
      %dma_start3A_52 = arith.constant 0 : i32
      %dma_start3A_53 = tpu.memref_slice %arg7[%dma_start3A_51, %dma_start3A_52] : memref<10240x16xf32, #tpu.memory_space<vmem_shared>> -> memref<10240x16xf32, #tpu.memory_space<vmem_shared>>
      tpu.enqueue_indirect_dma source(%arg5 : memref<128x16xf32, #tpu.memory_space<vmem>>) target(%dma_start3A_53 : memref<10240x16xf32, #tpu.memory_space<vmem_shared>>) offsets(%dma_start3A_50 : memref<128xi32, #tpu.memory_space<vmem>>) semaphore(%arg8 : memref<!tpu.dma_semaphore, #tpu.memory_space<semaphore_mem>>) {add = true}
      %dma_wait3A = arith.constant 0 : i32
      %dma_wait3A_54 = tpu.memref_slice %arg4[%scan3A_47, %dma_wait3A] : memref<40x128xi32, #tpu.memory_space<vmem>> -> memref<1x128xi32, #tpu.memory_space<vmem>>
      %dma_wait3A_55 = tpu.memref_squeeze %dma_wait3A_54 : memref<1x128xi32, #tpu.memory_space<vmem>> -> memref<128xi32, #tpu.memory_space<vmem>>
      %dma_wait3A_56 = arith.constant 0 : i32
      %dma_wait3A_57 = arith.constant 0 : i32
      %dma_wait3A_58 = tpu.memref_slice %arg7[%dma_wait3A_56, %dma_wait3A_57] : memref<10240x16xf32, #tpu.memory_space<vmem_shared>> -> memref<10240x16xf32, #tpu.memory_space<vmem_shared>>
      tpu.wait_indirect_dma semaphore(%arg8 : memref<!tpu.dma_semaphore, #tpu.memory_space<semaphore_mem>>) src(%arg5 : memref<128x16xf32, #tpu.memory_space<vmem>>) dst(%dma_wait3A_58 : memref<10240x16xf32, #tpu.memory_space<vmem_shared>>)
      %scan3A_59 = arith.constant 0 : i32
      scf.yield %scan3A_59 : i32
    }
    %scan3A_33 = arith.constant 40 : i32
    %run_scoped3A_34 = arith.constant 1 : i32
    "tpu.region"() ({
      %run_scoped3A_47 = tpu.sem_alloc : memref<!tpu.dma_semaphore, #tpu.memory_space<semaphore_mem>>
      %dma_start3A = arith.constant 0 : i32
      %dma_start3A_48 = arith.constant 0 : i32
      %dma_start3A_49 = tpu.memref_slice %arg2[%add3A, %run_scoped3A_34, %dma_start3A, %dma_start3A_48] : memref<32x2x40x128xi32, #tpu.memory_space<hbm>> -> memref<1x1x40x128xi32, #tpu.memory_space<hbm>>
      %dma_start3A_50 = tpu.memref_squeeze %dma_start3A_49 : memref<1x1x40x128xi32, #tpu.memory_space<hbm>> -> memref<40x128xi32, #tpu.memory_space<hbm>>
      %dma_start3A_51 = arith.constant 0 : i32
      %dma_start3A_52 = arith.constant 0 : i32
      %dma_start3A_53 = tpu.memref_slice %arg2[%add3A, %run_scoped3A_34, %dma_start3A_51, %dma_start3A_52] : memref<32x2x40x128xi32, #tpu.memory_space<hbm>> -> memref<1x1x40x128xi32, #tpu.memory_space<hbm>>
      %dma_start3A_54 = tpu.memref_squeeze %dma_start3A_53 : memref<1x1x40x128xi32, #tpu.memory_space<hbm>> -> memref<40x128xi32, #tpu.memory_space<hbm>>
      tpu.enqueue_dma source(%dma_start3A_54 : memref<40x128xi32, #tpu.memory_space<hbm>>) target(%arg4 : memref<40x128xi32, #tpu.memory_space<vmem>>) target_semaphore(%run_scoped3A_47 : memref<!tpu.dma_semaphore, #tpu.memory_space<semaphore_mem>>)
      %dma_wait3A = arith.constant 0 : i32
      %dma_wait3A_55 = arith.constant 0 : i32
      %dma_wait3A_56 = tpu.memref_slice %arg2[%add3A, %run_scoped3A_34, %dma_wait3A, %dma_wait3A_55] : memref<32x2x40x128xi32, #tpu.memory_space<hbm>> -> memref<1x1x40x128xi32, #tpu.memory_space<hbm>>
      %dma_wait3A_57 = tpu.memref_squeeze %dma_wait3A_56 : memref<1x1x40x128xi32, #tpu.memory_space<hbm>> -> memref<40x128xi32, #tpu.memory_space<hbm>>
      %dma_wait3A_58 = arith.constant 0 : i32
      %dma_wait3A_59 = arith.constant 0 : i32
      %dma_wait3A_60 = tpu.memref_slice %arg2[%add3A, %run_scoped3A_34, %dma_wait3A_58, %dma_wait3A_59] : memref<32x2x40x128xi32, #tpu.memory_space<hbm>> -> memref<1x1x40x128xi32, #tpu.memory_space<hbm>>
      %dma_wait3A_61 = tpu.memref_squeeze %dma_wait3A_60 : memref<1x1x40x128xi32, #tpu.memory_space<hbm>> -> memref<40x128xi32, #tpu.memory_space<hbm>>
      tpu.wait_dma2 semaphore(%run_scoped3A_47 : memref<!tpu.dma_semaphore, #tpu.memory_space<semaphore_mem>>) src(%dma_wait3A_61 : memref<40x128xi32, #tpu.memory_space<hbm>>) dst(%arg4 : memref<40x128xi32, #tpu.memory_space<vmem>>)
      tpu.yield
    }) : () -> ()
    %scan3A_35 = arith.constant 0 : i32
    %scan3A_36 = arith.constant 0 : i32
    %scan3A_37 = arith.constant 40 : i32
    %scan3A_38 = arith.addi %scan3A_36, %scan3A_37 : i32
    %scan3A_39 = arith.constant 1 : i32
    %scan3A_40 = scf.for %scan3A_47 = %scan3A_36 to %scan3A_38 step %scan3A_39 iter_args(%scan3A_48 = %scan3A_35) -> (i32)  : i32 {
      %dma_start3A = arith.constant 0 : i32
      %dma_start3A_49 = tpu.memref_slice %arg4[%scan3A_47, %dma_start3A] : memref<40x128xi32, #tpu.memory_space<vmem>> -> memref<1x128xi32, #tpu.memory_space<vmem>>
      %dma_start3A_50 = tpu.memref_squeeze %dma_start3A_49 : memref<1x128xi32, #tpu.memory_space<vmem>> -> memref<128xi32, #tpu.memory_space<vmem>>
      %dma_start3A_51 = arith.constant 0 : i32
      %dma_start3A_52 = arith.constant 0 : i32
      %dma_start3A_53 = tpu.memref_slice %arg7[%dma_start3A_51, %dma_start3A_52] : memref<10240x16xf32, #tpu.memory_space<vmem_shared>> -> memref<10240x16xf32, #tpu.memory_space<vmem_shared>>
      tpu.enqueue_indirect_dma source(%arg5 : memref<128x16xf32, #tpu.memory_space<vmem>>) target(%dma_start3A_53 : memref<10240x16xf32, #tpu.memory_space<vmem_shared>>) offsets(%dma_start3A_50 : memref<128xi32, #tpu.memory_space<vmem>>) semaphore(%arg8 : memref<!tpu.dma_semaphore, #tpu.memory_space<semaphore_mem>>) {add = true}
      %dma_wait3A = arith.constant 0 : i32
      %dma_wait3A_54 = tpu.memref_slice %arg4[%scan3A_47, %dma_wait3A] : memref<40x128xi32, #tpu.memory_space<vmem>> -> memref<1x128xi32, #tpu.memory_space<vmem>>
      %dma_wait3A_55 = tpu.memref_squeeze %dma_wait3A_54 : memref<1x128xi32, #tpu.memory_space<vmem>> -> memref<128xi32, #tpu.memory_space<vmem>>
      %dma_wait3A_56 = arith.constant 0 : i32
      %dma_wait3A_57 = arith.constant 0 : i32
      %dma_wait3A_58 = tpu.memref_slice %arg7[%dma_wait3A_56, %dma_wait3A_57] : memref<10240x16xf32, #tpu.memory_space<vmem_shared>> -> memref<10240x16xf32, #tpu.memory_space<vmem_shared>>
      tpu.wait_indirect_dma semaphore(%arg8 : memref<!tpu.dma_semaphore, #tpu.memory_space<semaphore_mem>>) src(%arg5 : memref<128x16xf32, #tpu.memory_space<vmem>>) dst(%dma_wait3A_58 : memref<10240x16xf32, #tpu.memory_space<vmem_shared>>)
      %scan3A_59 = arith.constant 0 : i32
      scf.yield %scan3A_59 : i32
    }
    %scan3A_41 = arith.constant 40 : i32
    %barrier3A_42 = arith.constant 0 : index
    tpu.barrier barrier_id(%barrier3A_42)
    %mul3A_43 = arith.constant 640 : i32
    %mul3A_44 = arith.muli %arg1, %mul3A_43 : i32
    %mul3A_45 = arith.constant 640 : i32
    %mul3A_46 = arith.muli %arg1, %mul3A_45 : i32
    "tpu.region"() ({
      %run_scoped3A_47 = tpu.sem_alloc : memref<!tpu.dma_semaphore, #tpu.memory_space<semaphore_mem>>
      %dma_start3A = arith.constant 0 : i32
      %dma_start3A_48 = tpu.memref_slice %arg3[%arg0, %mul3A_46, %dma_start3A] : memref<2x10240x16xf32, #tpu.memory_space<hbm>> -> memref<1x640x16xf32, #tpu.memory_space<hbm>>
      %dma_start3A_49 = tpu.memref_squeeze %dma_start3A_48 : memref<1x640x16xf32, #tpu.memory_space<hbm>> -> memref<640x16xf32, #tpu.memory_space<hbm>>
      %dma_start3A_50 = arith.constant 0 : i32
      %dma_start3A_51 = tpu.memref_slice %arg7[%mul3A_44, %dma_start3A_50] : memref<10240x16xf32, #tpu.memory_space<vmem_shared>> -> memref<640x16xf32, #tpu.memory_space<vmem_shared>>
      tpu.enqueue_dma source(%dma_start3A_51 : memref<640x16xf32, #tpu.memory_space<vmem_shared>>) target(%dma_start3A_49 : memref<640x16xf32, #tpu.memory_space<hbm>>) target_semaphore(%run_scoped3A_47 : memref<!tpu.dma_semaphore, #tpu.memory_space<semaphore_mem>>)
      %dma_wait3A = arith.constant 0 : i32
      %dma_wait3A_52 = tpu.memref_slice %arg3[%arg0, %mul3A_46, %dma_wait3A] : memref<2x10240x16xf32, #tpu.memory_space<hbm>> -> memref<1x640x16xf32, #tpu.memory_space<hbm>>
      %dma_wait3A_53 = tpu.memref_squeeze %dma_wait3A_52 : memref<1x640x16xf32, #tpu.memory_space<hbm>> -> memref<640x16xf32, #tpu.memory_space<hbm>>
      %dma_wait3A_54 = arith.constant 0 : i32
      %dma_wait3A_55 = tpu.memref_slice %arg7[%mul3A_44, %dma_wait3A_54] : memref<10240x16xf32, #tpu.memory_space<vmem_shared>> -> memref<640x16xf32, #tpu.memory_space<vmem_shared>>
      tpu.wait_dma2 semaphore(%run_scoped3A_47 : memref<!tpu.dma_semaphore, #tpu.memory_space<semaphore_mem>>) src(%dma_wait3A_55 : memref<640x16xf32, #tpu.memory_space<vmem_shared>>) dst(%dma_wait3A_53 : memref<640x16xf32, #tpu.memory_space<hbm>>)
      tpu.yield
    }) : () -> ()
    return
  }
}

module attributes {stable_mosaic.version = 14 : i64} {
  func.func @_tc1_body(%arg0: i32, %arg1: memref<1024x1xf32, #tpu.memory_space<vmem>>, %arg2: memref<1024x1xf32, #tpu.memory_space<vmem>>, %arg3: memref<1024x128xf32, #tpu.memory_space<vmem>>, %arg4: memref<128x128xf32, #tpu.memory_space<vmem>>, %arg5: memref<1024x128xf32, #tpu.memory_space<vmem>>, %arg6: memref<1024x1xf32, #tpu.memory_space<vmem>>) attributes {dimension_semantics = [#tpu.dimension_semantics<arbitrary>], iteration_bounds = array<i64: 10>, scalar_prefetch = 0 : i64, scratch_operands = 0 : i64, tpu.core_type = #tpu.core_type<tc>, window_params = [{transform_indices = @transform_0, window_bounds = array<i64: 1024, 1>}, {transform_indices = @transform_1, window_bounds = array<i64: 1024, 1>}, {transform_indices = @transform_2, window_bounds = array<i64: 1024, 128>}, {pipeline_mode = #tpu.pipeline_mode<synchronous>, transform_indices = @transform_3, window_bounds = array<i64: 128, 128>}, {transform_indices = @transform_4, window_bounds = array<i64: 1024, 128>}, {transform_indices = @transform_5, window_bounds = array<i64: 1024, 1>}]} {
    %get3A = arith.constant 0 : index
    %get3A_0 = arith.constant 0 : index
    %get3A_1 = vector.load %arg1[%get3A, %get3A_0] : memref<1024x1xf32, #tpu.memory_space<vmem>>, vector<1024x1xf32>
    %get3A_2 = arith.constant 0 : index
    %get3A_3 = arith.constant 0 : index
    %get3A_4 = vector.load %arg2[%get3A_2, %get3A_3] : memref<1024x1xf32, #tpu.memory_space<vmem>>, vector<1024x1xf32>
    %add3A = arith.addf %get3A_1, %get3A_4 : vector<1024x1xf32>
    %add3A_5 = arith.constant 1.000000e+00 : f32
    %add3A_6 = vector.broadcast %add3A_5 : f32 to vector<1024x1xf32>
    %add3A_7 = arith.addf %add3A, %add3A_6 : vector<1024x1xf32>
    %rsqrt3A = math.rsqrt %add3A_7 : vector<1024x1xf32>
    %get3A_8 = arith.constant 0 : index
    %get3A_9 = arith.constant 0 : index
    %get3A_10 = vector.load %arg3[%get3A_8, %get3A_9] : memref<1024x128xf32, #tpu.memory_space<vmem>>, vector<1024x128xf32>
    %get3A_11 = arith.constant 0 : index
    %get3A_12 = arith.constant 0 : index
    %get3A_13 = vector.load %arg4[%get3A_11, %get3A_12] : memref<128x128xf32, #tpu.memory_space<vmem>>, vector<128x128xf32>
    %dot_general3A = arith.constant dense<0.000000e+00> : vector<1024x128xf32>
    %dot_general3A_14 = tpu.matmul %get3A_10, %get3A_13, %dot_general3A {dimension_numbers = #tpu.dot_dimension_numbers<[1], [0], [0], [1], [0, 0, 1, 1], [], []>, transpose_lhs_hint = false} : vector<1024x128xf32>, vector<128x128xf32>, vector<1024x128xf32> -> vector<1024x128xf32>
    %mul3A = vector.broadcast %rsqrt3A : vector<1024x1xf32> to vector<1024x128xf32>
    %mul3A_15 = arith.mulf %dot_general3A_14, %mul3A : vector<1024x128xf32>
    %swap3A = arith.constant 0 : index
    %swap3A_16 = arith.constant 0 : index
    %swap3A_17 = vector.load %arg5[%swap3A, %swap3A_16] : memref<1024x128xf32, #tpu.memory_space<vmem>>, vector<1024x128xf32>
    tpu.vector_store %arg5[%swap3A, %swap3A_16], %mul3A_15 {strides = array<i32>} : memref<1024x128xf32, #tpu.memory_space<vmem>>, vector<1024x128xf32>,
    %swap3A_18 = arith.constant 0 : index
    %swap3A_19 = arith.constant 0 : index
    %swap3A_20 = vector.load %arg6[%swap3A_18, %swap3A_19] : memref<1024x1xf32, #tpu.memory_space<vmem>>, vector<1024x1xf32>
    tpu.vector_store %arg6[%swap3A_18, %swap3A_19], %rsqrt3A {strides = array<i32>} : memref<1024x1xf32, #tpu.memory_space<vmem>>, vector<1024x1xf32>,
    return
  }
  func.func @transform_0(%arg0: i32) -> (i32, i32) {
    %c0_i32 = arith.constant 0 : i32
    %c0_i32_0 = arith.constant 0 : i32
    return %arg0, %c0_i32 : i32, i32
  }
  func.func @transform_1(%arg0: i32) -> (i32, i32) {
    %c0_i32 = arith.constant 0 : i32
    %c0_i32_0 = arith.constant 0 : i32
    return %arg0, %c0_i32 : i32, i32
  }
  func.func @transform_2(%arg0: i32) -> (i32, i32) {
    %c0_i32 = arith.constant 0 : i32
    %c0_i32_0 = arith.constant 0 : i32
    return %arg0, %c0_i32 : i32, i32
  }
  func.func @transform_3(%arg0: i32) -> (i32, i32) {
    %c0_i32 = arith.constant 0 : i32
    %c0_i32_0 = arith.constant 0 : i32
    %c0_i32_1 = arith.constant 0 : i32
    return %c0_i32, %c0_i32_0 : i32, i32
  }
  func.func @transform_4(%arg0: i32) -> (i32, i32) {
    %c0_i32 = arith.constant 0 : i32
    %c0_i32_0 = arith.constant 0 : i32
    return %arg0, %c0_i32 : i32, i32
  }
  func.func @transform_5(%arg0: i32) -> (i32, i32) {
    %c0_i32 = arith.constant 0 : i32
    %c0_i32_0 = arith.constant 0 : i32
    return %arg0, %c0_i32 : i32, i32
  }
}

module attributes {stable_mosaic.version = 14 : i64} {
  func.func @_tc2_body(%arg0: i32, %arg1: memref<1024x128xf32, #tpu.memory_space<vmem>>, %arg2: memref<1024x128xf32, #tpu.memory_space<vmem>>, %arg3: memref<1024x128xf32, #tpu.memory_space<vmem>>, %arg4: memref<1024x1xf32, #tpu.memory_space<vmem>>, %arg5: memref<1x128xf32, #tpu.memory_space<vmem>>, %arg6: memref<128x128xf32, #tpu.memory_space<vmem>>, %arg7: memref<1024x128xf32, #tpu.memory_space<vmem>>) attributes {dimension_semantics = [#tpu.dimension_semantics<arbitrary>], iteration_bounds = array<i64: 10>, scalar_prefetch = 0 : i64, scratch_operands = 0 : i64, tpu.core_type = #tpu.core_type<tc>, window_params = [{transform_indices = @transform_0, window_bounds = array<i64: 1024, 128>}, {transform_indices = @transform_1, window_bounds = array<i64: 1024, 128>}, {transform_indices = @transform_2, window_bounds = array<i64: 1024, 128>}, {transform_indices = @transform_3, window_bounds = array<i64: 1024, 1>}, {pipeline_mode = #tpu.pipeline_mode<synchronous>, transform_indices = @transform_4, window_bounds = array<i64: 1, 128>}, {pipeline_mode = #tpu.pipeline_mode<synchronous>, transform_indices = @transform_5, window_bounds = array<i64: 128, 128>}, {transform_indices = @transform_6, window_bounds = array<i64: 1024, 128>}]} {
    %get3A = arith.constant 0 : index
    %get3A_0 = arith.constant 0 : index
    %get3A_1 = vector.load %arg4[%get3A, %get3A_0] : memref<1024x1xf32, #tpu.memory_space<vmem>>, vector<1024x1xf32>
    %get3A_2 = arith.constant 0 : index
    %get3A_3 = arith.constant 0 : index
    %get3A_4 = vector.load %arg1[%get3A_2, %get3A_3] : memref<1024x128xf32, #tpu.memory_space<vmem>>, vector<1024x128xf32>
    %get3A_5 = arith.constant 0 : index
    %get3A_6 = arith.constant 0 : index
    %get3A_7 = vector.load %arg2[%get3A_5, %get3A_6] : memref<1024x128xf32, #tpu.memory_space<vmem>>, vector<1024x128xf32>
    %add3A = arith.addf %get3A_4, %get3A_7 : vector<1024x128xf32>
    %get3A_8 = arith.constant 0 : index
    %get3A_9 = arith.constant 0 : index
    %get3A_10 = vector.load %arg3[%get3A_8, %get3A_9] : memref<1024x128xf32, #tpu.memory_space<vmem>>, vector<1024x128xf32>
    %add3A_11 = arith.addf %add3A, %get3A_10 : vector<1024x128xf32>
    %mul3A = vector.broadcast %get3A_1 : vector<1024x1xf32> to vector<1024x128xf32>
    %mul3A_12 = arith.mulf %mul3A, %add3A_11 : vector<1024x128xf32>
    %get3A_13 = arith.constant 0 : index
    %get3A_14 = arith.constant 0 : index
    %get3A_15 = vector.load %arg5[%get3A_13, %get3A_14] : memref<1x128xf32, #tpu.memory_space<vmem>>, vector<1x128xf32>
    %add3A_16 = vector.broadcast %get3A_15 : vector<1x128xf32> to vector<1024x128xf32>
    %add3A_17 = arith.addf %mul3A_12, %add3A_16 : vector<1024x128xf32>
    %max3A = arith.constant 0.000000e+00 : f32
    %max3A_18 = vector.broadcast %max3A : f32 to vector<1024x128xf32>
    %max3A_19 = arith.maximumf %add3A_17, %max3A_18 : vector<1024x128xf32>
    %get3A_20 = arith.constant 0 : index
    %get3A_21 = arith.constant 0 : index
    %get3A_22 = vector.load %arg6[%get3A_20, %get3A_21] : memref<128x128xf32, #tpu.memory_space<vmem>>, vector<128x128xf32>
    %dot_general3A = arith.constant dense<0.000000e+00> : vector<1024x128xf32>
    %dot_general3A_23 = tpu.matmul %max3A_19, %get3A_22, %dot_general3A {dimension_numbers = #tpu.dot_dimension_numbers<[1], [0], [0], [1], [0, 0, 1, 1], [], []>, transpose_lhs_hint = false} : vector<1024x128xf32>, vector<128x128xf32>, vector<1024x128xf32> -> vector<1024x128xf32>
    %mul3A_24 = vector.broadcast %get3A_1 : vector<1024x1xf32> to vector<1024x128xf32>
    %mul3A_25 = arith.mulf %dot_general3A_23, %mul3A_24 : vector<1024x128xf32>
    %swap3A = arith.constant 0 : index
    %swap3A_26 = arith.constant 0 : index
    %swap3A_27 = vector.load %arg7[%swap3A, %swap3A_26] : memref<1024x128xf32, #tpu.memory_space<vmem>>, vector<1024x128xf32>
    tpu.vector_store %arg7[%swap3A, %swap3A_26], %mul3A_25 {strides = array<i32>} : memref<1024x128xf32, #tpu.memory_space<vmem>>, vector<1024x128xf32>,
    return
  }
  func.func @transform_0(%arg0: i32) -> (i32, i32) {
    %c0_i32 = arith.constant 0 : i32
    %c0_i32_0 = arith.constant 0 : i32
    return %arg0, %c0_i32 : i32, i32
  }
  func.func @transform_1(%arg0: i32) -> (i32, i32) {
    %c0_i32 = arith.constant 0 : i32
    %c0_i32_0 = arith.constant 0 : i32
    return %arg0, %c0_i32 : i32, i32
  }
  func.func @transform_2(%arg0: i32) -> (i32, i32) {
    %c0_i32 = arith.constant 0 : i32
    %c0_i32_0 = arith.constant 0 : i32
    return %arg0, %c0_i32 : i32, i32
  }
  func.func @transform_3(%arg0: i32) -> (i32, i32) {
    %c0_i32 = arith.constant 0 : i32
    %c0_i32_0 = arith.constant 0 : i32
    return %arg0, %c0_i32 : i32, i32
  }
  func.func @transform_4(%arg0: i32) -> (i32, i32) {
    %c0_i32 = arith.constant 0 : i32
    %c0_i32_0 = arith.constant 0 : i32
    %c0_i32_1 = arith.constant 0 : i32
    return %c0_i32, %c0_i32_0 : i32, i32
  }
  func.func @transform_5(%arg0: i32) -> (i32, i32) {
    %c0_i32 = arith.constant 0 : i32
    %c0_i32_0 = arith.constant 0 : i32
    %c0_i32_1 = arith.constant 0 : i32
    return %c0_i32, %c0_i32_0 : i32, i32
  }
  func.func @transform_6(%arg0: i32) -> (i32, i32) {
    %c0_i32 = arith.constant 0 : i32
    %c0_i32_0 = arith.constant 0 : i32
    return %arg0, %c0_i32 : i32, i32
  }
}

module attributes {stable_mosaic.version = 14 : i64} {
  func.func @_tc3_body(%arg0: i32, %arg1: memref<1024x128xf32, #tpu.memory_space<vmem>>, %arg2: memref<1024x128xf32, #tpu.memory_space<vmem>>, %arg3: memref<1024x128xf32, #tpu.memory_space<vmem>>, %arg4: memref<1024x1xf32, #tpu.memory_space<vmem>>, %arg5: memref<1x128xf32, #tpu.memory_space<vmem>>, %arg6: memref<1024x128xf32, #tpu.memory_space<vmem>>, %arg7: memref<1024x128xf32, #tpu.memory_space<vmem>>) attributes {dimension_semantics = [#tpu.dimension_semantics<arbitrary>], iteration_bounds = array<i64: 10>, scalar_prefetch = 0 : i64, scratch_operands = 0 : i64, tpu.core_type = #tpu.core_type<tc>, window_params = [{transform_indices = @transform_0, window_bounds = array<i64: 1024, 128>}, {transform_indices = @transform_1, window_bounds = array<i64: 1024, 128>}, {transform_indices = @transform_2, window_bounds = array<i64: 1024, 128>}, {transform_indices = @transform_3, window_bounds = array<i64: 1024, 1>}, {pipeline_mode = #tpu.pipeline_mode<synchronous>, transform_indices = @transform_4, window_bounds = array<i64: 1, 128>}, {transform_indices = @transform_5, window_bounds = array<i64: 1024, 128>}, {transform_indices = @transform_6, window_bounds = array<i64: 1024, 128>}]} {
    %get3A = arith.constant 0 : index
    %get3A_0 = arith.constant 0 : index
    %get3A_1 = vector.load %arg4[%get3A, %get3A_0] : memref<1024x1xf32, #tpu.memory_space<vmem>>, vector<1024x1xf32>
    %get3A_2 = arith.constant 0 : index
    %get3A_3 = arith.constant 0 : index
    %get3A_4 = vector.load %arg1[%get3A_2, %get3A_3] : memref<1024x128xf32, #tpu.memory_space<vmem>>, vector<1024x128xf32>
    %get3A_5 = arith.constant 0 : index
    %get3A_6 = arith.constant 0 : index
    %get3A_7 = vector.load %arg2[%get3A_5, %get3A_6] : memref<1024x128xf32, #tpu.memory_space<vmem>>, vector<1024x128xf32>
    %add3A = arith.addf %get3A_4, %get3A_7 : vector<1024x128xf32>
    %get3A_8 = arith.constant 0 : index
    %get3A_9 = arith.constant 0 : index
    %get3A_10 = vector.load %arg3[%get3A_8, %get3A_9] : memref<1024x128xf32, #tpu.memory_space<vmem>>, vector<1024x128xf32>
    %add3A_11 = arith.addf %add3A, %get3A_10 : vector<1024x128xf32>
    %mul3A = vector.broadcast %get3A_1 : vector<1024x1xf32> to vector<1024x128xf32>
    %mul3A_12 = arith.mulf %mul3A, %add3A_11 : vector<1024x128xf32>
    %get3A_13 = arith.constant 0 : index
    %get3A_14 = arith.constant 0 : index
    %get3A_15 = vector.load %arg5[%get3A_13, %get3A_14] : memref<1x128xf32, #tpu.memory_space<vmem>>, vector<1x128xf32>
    %add3A_16 = vector.broadcast %get3A_15 : vector<1x128xf32> to vector<1024x128xf32>
    %add3A_17 = arith.addf %mul3A_12, %add3A_16 : vector<1024x128xf32>
    %mul3A_18 = arith.constant 8.000000e-01 : f32
    %mul3A_19 = vector.broadcast %mul3A_18 : f32 to vector<1024x128xf32>
    %mul3A_20 = arith.mulf %mul3A_19, %add3A_17 : vector<1024x128xf32>
    %get3A_21 = arith.constant 0 : index
    %get3A_22 = arith.constant 0 : index
    %get3A_23 = vector.load %arg6[%get3A_21, %get3A_22] : memref<1024x128xf32, #tpu.memory_space<vmem>>, vector<1024x128xf32>
    %mul3A_24 = arith.constant 2.000000e-01 : f32
    %mul3A_25 = vector.broadcast %mul3A_24 : f32 to vector<1024x128xf32>
    %mul3A_26 = arith.mulf %mul3A_25, %get3A_23 : vector<1024x128xf32>
    %add3A_27 = arith.addf %mul3A_20, %mul3A_26 : vector<1024x128xf32>
    %swap3A = arith.constant 0 : index
    %swap3A_28 = arith.constant 0 : index
    %swap3A_29 = vector.load %arg7[%swap3A, %swap3A_28] : memref<1024x128xf32, #tpu.memory_space<vmem>>, vector<1024x128xf32>
    tpu.vector_store %arg7[%swap3A, %swap3A_28], %add3A_27 {strides = array<i32>} : memref<1024x128xf32, #tpu.memory_space<vmem>>, vector<1024x128xf32>,
    return
  }
  func.func @transform_0(%arg0: i32) -> (i32, i32) {
    %c0_i32 = arith.constant 0 : i32
    %c0_i32_0 = arith.constant 0 : i32
    return %arg0, %c0_i32 : i32, i32
  }
  func.func @transform_1(%arg0: i32) -> (i32, i32) {
    %c0_i32 = arith.constant 0 : i32
    %c0_i32_0 = arith.constant 0 : i32
    return %arg0, %c0_i32 : i32, i32
  }
  func.func @transform_2(%arg0: i32) -> (i32, i32) {
    %c0_i32 = arith.constant 0 : i32
    %c0_i32_0 = arith.constant 0 : i32
    return %arg0, %c0_i32 : i32, i32
  }
  func.func @transform_3(%arg0: i32) -> (i32, i32) {
    %c0_i32 = arith.constant 0 : i32
    %c0_i32_0 = arith.constant 0 : i32
    return %arg0, %c0_i32 : i32, i32
  }
  func.func @transform_4(%arg0: i32) -> (i32, i32) {
    %c0_i32 = arith.constant 0 : i32
    %c0_i32_0 = arith.constant 0 : i32
    %c0_i32_1 = arith.constant 0 : i32
    return %c0_i32, %c0_i32_0 : i32, i32
  }
  func.func @transform_5(%arg0: i32) -> (i32, i32) {
    %c0_i32 = arith.constant 0 : i32
    %c0_i32_0 = arith.constant 0 : i32
    return %arg0, %c0_i32 : i32, i32
  }
  func.func @transform_6(%arg0: i32) -> (i32, i32) {
    %c0_i32 = arith.constant 0 : i32
    %c0_i32_0 = arith.constant 0 : i32
    return %arg0, %c0_i32 : i32, i32
  }
}

</mosaic_0001>

<sc_bundles>
// kernel: kernel.11.cloned.1.call-start
scs
__scs_entry_jumppad:
0x0: {  	(pc) =	sbr.rel $0x88, $3  }
0x1: {  	(tag) =	ssettag $0x0;
	lr =	simm.s32 $0x1  }
0x2: {  	[smem:$0x3F9B] =	sst lr;
	_ =	strace $0xD0000000  }
0x3: {  	_ = 	snop  }
0x4: {  	_ = 	snop  }
0x5: {  	_ = 	snop  }
0x6: {  	_ = 	snop  }
0x7: {  	_ = 	snop  }
__scs_overlays_trampoline_lowered:
0x8: {  	[smem:$0x3FAA] =	sst s0  }
0x9: {  	[smem:$0x3FAB] =	sst s1  }
0xa: {  	[smem:$0x3FAC] =	sst s2  }
0xb: {  	[smem:$0x3FAD] =	sst s3  }
0xc: {  	[smem:$0x3FAE] =	sst s4  }
0xd: {  	[smem:$0x3FAF] =	sst s5  }
0xe: {  	[smem:$0x3FB0] =	sst s6  }
0xf: {  	[smem:$0x3FB1] =	sst s7  }
0x10: {  	[smem:$0x3FB2] =	sst s8  }
0x11: {  	[smem:$0x3FB3] =	sst s9;
	s0 =	simm.s32 @!p0 $0x0  }
0x12: {  	s1 =	sld [smem:$0x3F99];
	s0 =	simm.s32 @p0 $0x1  }
0x13: {  	[smem:$0x3FB4] =	sst s0;
	s0 =	simm.s32 @!p1 $0x0  }
0x14: {  	s2 =	sld [smem:$0x3F98];
	s0 =	simm.s32 @p1 $0x1  }
0x15: {  	[smem:$0x3FB5] =	sst s0;
	s0 =	simm.s32 @!p2 $0x0  }
0x16: {  	s3 =	sld [smem:$0x3FDB];
	s0 =	simm.s32 @p2 $0x1  }
0x17: {  	s4 =	simm.s32 $0x1BF5;
	[smem:$0x3FB7] =	sst s0  }
0x18: {  	s0 =	sld [smem:$0x3F9A];
	_ =	swait.ge [sflag:s4], $0x0  }
0x19: {  	s7 =	sld [smem:$0x3F9B]  }
0x1a: {  	s8 =	sadd.s32 $0xFFFFE003, lr  }
0x1b: {  	s9 =	sadd.s32 $0xFFFFFEF7, lr;
	s5 =	simm.s32 $0xFFFFFFFF;
	p2 =	slt.u32 s8, $0xFFFFF086  }
0x1c: {  	p1 =	slt.u32 s9, $0xF7A;
	s5 =	simm.s32 @!p2 $0x0  }
0x1d: {  	s5 =	simm.s32 @p1 $0x1;
	p0 =	seq.s32 s7, s2  }
0x1e: {  	s7 =	smul.u32 @!p0 $0xF7A, s2;
	p2 =	seq.s32 @!p0 s5, $0x0  }
0x1f: {  	s9 =	smul.u32 $0xF7A, s1;
	s8 =	simm.s32 @!p0 $0x1BF5;
	p2 =	por !p2, p0  }
0x20: {  	[sflag:s8] =	ssyncset.s32 @!p0 $0xFFFFF086;
	s6 =	sadd.s32 @!p0 s3, s7;
	s7 =	simm.s32 @!p0 $0x108  }
0x21: {  	s3 =	sadd.s32 s3, s9;
	s6 =	sadd.s32 @!p0 $0x88, s6;
	s7 =	simm.s32 @p2 $0x1082  }
0x22: {  	[simem:s7], [sflag:s8] =	dma.local @!p0 [hbm:s6], $0xF7A  }
0x23: {  	s9 =	sor.u32 $0xD0000000, s2;
	s6 =	simm.s32 $0x108;
	_ =	swait.ge @!p0 [sflag:s8], $0x0  }
0x24: {  	s3 =	sadd.s32 $0x88, s3;
	s6 =	simm.s32 @!p1 $0x1082;
	[sflag:s4] =	ssyncset.s32 $0xFFFFF086  }
0x25: {  	[simem:s6], [sflag:s4] =	dma.local [hbm:s3], $0xF7A  }
0x26: {  	[smem:$0x3F9B] =	sst s1;
	(tag) =	ssettag s2;
	_ =	strace s9  }
0x27: {  	s1 =	sld [smem:$0x3FAB]  }
0x28: {  	s2 =	sld [smem:$0x3FAC]  }
0x29: {  	s4 =	sld [smem:$0x3FAE]  }
0x2a: {  	p0 =	seq.s32 s5, $0x0;
	s5 =	sld [smem:$0x3FAF]  }
0x2b: {  	s6 =	sld [smem:$0x3FB0]  }
0x2c: {  	s7 =	sld [smem:$0x3FB1]  }
0x2d: {  	s3 =	simm.s32 $0x108;
	s8 =	sld [smem:$0x3FB2]  }
0x2e: {  	s3 =	simm.s32 @!p0 $0x1082;
	s9 =	sld [smem:$0x3FB3]  }
0x2f: {  	lr =	sadd.s32 s0, s3;
	s0 =	sld [smem:$0x3FAA]  }
0x30: {  	s3 =	sld [smem:$0x3FAD]  }
0x31: {  	[smem:$0x3FB6] =	sst s10  }
0x32: {  	s10 =	sld [smem:$0x3FB4];
	_ =	sdelay $0x3  }
0x33: {  	p0 =	seq.s32 s10, $0x1;
	s10 =	sld [smem:$0x3FB6];
	_ =	sdelay $0x3  }
0x34: {  	[smem:$0x3FB6] =	sst s10  }
0x35: {  	s10 =	sld [smem:$0x3FB5];
	_ =	sdelay $0x3  }
0x36: {  	p1 =	seq.s32 s10, $0x1;
	s10 =	sld [smem:$0x3FB6];
	_ =	sdelay $0x3  }
0x37: {  	[smem:$0x3FB6] =	sst s10  }
0x38: {  	s10 =	sld [smem:$0x3FB7]  }
0x39: {  	_ = 	snop;
	(pc) =	sbr.ind lr, $3  }
0x3a: {  	_ = 	snop  }
0x3b: {  	_ = 	snop  }
0x3c: {  	p2 =	seq.s32 s10, $0x1;
	s10 =	sld [smem:$0x3FB6]  }
0x3d: {  	_ =	shalt  }
0x3e: {  	_ =	shalt  }
0x3f: {  	_ =	shalt  }
0x40: {  	_ =	shalt  }
0x41: {  	_ =	shalt  }
0x42: {  	_ =	shalt  }
0x43: {  	_ =	shalt  }
0x44: {  	_ =	shalt  }
0x45: {  	_ =	shalt  }
0x46: {  	_ =	shalt  }
0x47: {  	_ =	shalt  }
0x48: {  	_ =	shalt  }
0x49: {  	_ =	shalt  }
0x4a: {  	_ =	shalt  }
0x4b: {  	_ =	shalt  }
0x4c: {  	_ =	shalt  }
0x4d: {  	_ =	shalt  }
0x4e: {  	_ =	shalt  }
0x4f: {  	_ =	shalt  }
0x50: {  	_ =	shalt  }
0x51: {  	_ =	shalt  }
0x52: {  	_ =	shalt  }
0x53: {  	_ =	shalt  }
0x54: {  	_ =	shalt  }
0x55: {  	_ =	shalt  }
0x56: {  	_ =	shalt  }
0x57: {  	_ =	shalt  }
0x58: {  	_ =	shalt  }
0x59: {  	_ =	shalt  }
0x5a: {  	_ =	shalt  }
0x5b: {  	_ =	shalt  }
0x5c: {  	_ =	shalt  }
0x5d: {  	_ =	shalt  }
0x5e: {  	_ =	shalt  }
0x5f: {  	_ =	shalt  }
0x60: {  	_ =	shalt  }
0x61: {  	_ =	shalt  }
0x62: {  	_ =	shalt  }
0x63: {  	_ =	shalt  }
0x64: {  	_ =	shalt  }
0x65: {  	_ =	shalt  }
0x66: {  	_ =	shalt  }
0x67: {  	_ =	shalt  }
0x68: {  	_ =	shalt  }
0x69: {  	_ =	shalt  }
0x6a: {  	_ =	shalt  }
0x6b: {  	_ =	shalt  }
0x6c: {  	_ =	shalt  }
0x6d: {  	_ =	shalt  }
0x6e: {  	_ =	shalt  }
0x6f: {  	_ =	shalt  }
0x70: {  	_ =	shalt  }
0x71: {  	_ =	shalt  }
0x72: {  	_ =	shalt  }
0x73: {  	_ =	shalt  }
0x74: {  	_ =	shalt  }
0x75: {  	_ =	shalt  }
0x76: {  	_ =	shalt  }
0x77: {  	_ =	shalt  }
0x78: {  	_ =	shalt  }
0x79: {  	_ =	shalt  }
0x7a: {  	_ =	shalt  }
0x7b: {  	_ =	shalt  }
0x7c: {  	_ =	shalt  }
0x7d: {  	_ =	shalt  }
0x7e: {  	_ =	shalt  }
0x7f: {  	_ =	shalt  }
0x80: {  	_ =	shalt  }
0x81: {  	_ =	shalt  }
0x82: {  	_ =	shalt  }
0x83: {  	_ =	shalt  }
0x84: {  	_ =	shalt  }
0x85: {  	_ =	shalt  }
0x86: {  	_ =	shalt  }
0x87: {  	_ =	shalt  }
.Lfunc_end0:
.L_simem_size_0:
called_computation.1_lowered:
.L_overlay_start_0:
0x88: {  	s2 =	sld [smem:$0x3FD9]  }
0x89: {  	s3 =	sld [smem:$0x3FFE];
	_ =	sdelay $0x1  }
0x8a: {  	s1 =	srdreg.scid  }
0x8b: {  	s0 =	sand.u32 $0x1, s1  }
0x8c: {  	s17 =	sshll.u32 s0, $0xA;
	s2 =	sadd.s32 s3, s2  }
0x8d: {  	s2 =	sadd.s32 s2, s17  }
0x8e: {  	[smem:$0x3FC2] =	sst s2  }
0x8f: {  	_ = 	snop  }
0x90: {  	s2 =	sld [smem:$0x3FD0];
	(tm) =	ssettm $0x1  }
0x91: {  	s18 =	sld [smem:$0x3FFB];
	_ =	sdelay $0x3  }
0x92: {  	_ =	strace s18  }
0x93: {  	s3 =	sld [smem:$0x3FFC];
	_ =	sdelay $0x3  }
0x94: {  	_ =	strace s3  }
0x95: {  	s3 =	sld [smem:$0x3FFD];
	_ =	sdelay $0x3  }
0x96: {  	_ =	strace s3  }
0x97: {  	_ =	strace $0x8FFFFFFF  }
0x98: {  	s19 =	sld [smem:$0x3FDB];
	_ =	sdelay $0x1  }
0x99: {  	s4 =	simm.s32 $_scs_section_size  }
0x9a: {  	s5 =	simm.s32 $_size__tile_overlayer_lowered;
	s6 =	simm.s32 $_tile_overlayer_lowered  }
0x9b: {  	s22 =	simm.s32 $0x1BFF;
	s21 =	sshll.u32 s6, $0x1;
	s3 =	sadd.s32 s4, s19  }
0x9c: {  	s7 =	simm.s32 $0x0;
	s20 =	sshll.u32 s5, $0x1;
	s5 =	sadd.s32 s21, s3  }
0x9d: {  	[timem:s7], [sflag:s22] =	dma.local [hbm:s5], s20  }
0x9e: {  	_ =	swait.ge [sflag:s22], s20  }
0x9f: {  	s4 =	ssub.s32 $0x0, s20;
	[sflag:s22] =	ssyncset.done $0x0  }
0xa0: {  	[sflag:s22] =	ssyncadd.s32 s4;
	_ =	sdelay $0x1  }
0xa1: {  	s23 =	simm.s32 $0x1B8B  }
0xa2: {  	_ =	swait.ge [sflag:s23], $0x1  }
0xa3: {  	[sflag:s23] =	ssyncset.done $0x0  }
0xa4: {  	s25 =	simm.s32 $0x1B8E;
	s24 =	sld [smem:$0x3FFE];
	[sflag:s23] =	ssyncadd.s32 $0xFFFFFFFF  }
0xa5: {  	s26 =	simm.s32 $execute0_lowered;
	[smem:$0x3FD2] =	sst s25  }
0xa6: {  	s5 =	sshll.u32 s26, $0x1;
	_ =	strace $0x80000049;
	[dreg:$0x1] =	wrdreg $0xFFFFFFFF  }
0xa7: {  	s28 =	simm.s32 $_size_execute0_lowered;
	s3 =	sadd.s32 s3, s5;
	[dreg:$0x0] =	wrdreg $0x0  }
0xa8: {  	s5 =	sshll.u32 s28, $0x1;
	[dreg:$0x2] =	wrdreg s3  }
0xa9: {  	[dreg:$0x3] =	wrdreg s5  }
0xaa: {  	[dreg:$0x4] =	wrdreg $0xC0  }
0xab: {  	_ =	task [dreg:s7], $0x5FFFF  }
0xac: {  	[dreg:$0x1] =	wrdreg $0xFFFFFFFF  }
0xad: {  	[dreg:$0x0] =	wrdreg $0x60  }
0xae: {  	[dreg:$0x2] =	wrdreg s24  }
0xaf: {  	[dreg:$0x3] =	wrdreg s2  }
0xb0: {  	[dreg:$0x4] =	wrdreg $0x68000  }
0xb1: {  	[dreg:$0x5] =	wrdreg $0x9  }
0xb2: {  	_ =	task.clear_ibuf [dreg:s7], $0x6FFFF;
	_ =	strace $0x90000049  }
0xb3: {  	s29 =	simm.s32 $0x9;
	_ =	strace $0x8000004B  }
0xb4: {  	_ =	swait.ge [sflag:s29], $0x1  }
0xb5: {  	[sflag:s29] =	ssyncadd.s32 $0xFFFFFFFF  }
0xb6: {  	_ =	strace $0x9000004B  }
0xb7: {  	_ =	sfence  }
0xb8: {  	s30 =	sld [smem:$0x0];
	_ =	sdelay $0x2  }
0xb9: {  	s31 =	sshll.u32 s1, $0xD;
	s1 =	sshrl.u32 s1, $0x2  }
0xba: {  	s3 =	sand.u32 $0x4000, s31;
	s1 =	sadd.s32 s1, s30  }
0xbb: {  	s0 =	sor.u32 s3, s0;
	s1 =	sshll.u32 s1, $0x11  }
0xbc: {  	s0 =	sor.u32 s1, s0  }
0xbd: {  	s0 =	sadd.s32 $0x8F2B, s0  }
0xbe: {  	[sflag:s0] =	ssyncadd.remote.s32 $0x1  }
0xbf: {  	_ =	sfence.sel $0xFFFF  }
0xc0: {  	[dreg:$0x0] =	wrdreg $0xFFFFFFFF;
	(pc) =	sbr.abs _section_cstart, $3  }
0xc1: {  	[dreg:$0x1] =	wrdreg $0xFFFFFFFF  }
0xc2: {  	_ =	task.clear_ibuf [dreg:s7], $0x2FFFF;
	_ =	strace $0x9FFFFFFF  }
0xc3: {  	(tm) =	ssettm $0x7FFFFFFF  }
tec
execute0_lowered:
.L_overlay_start_1:
0x0: {  	(tag) =	ssettag $0x1  }
0x1: {  	s5 =	rddreg [dreg:$0x0]  }
0x2: {  	s13 =	rddreg [dreg:$0x1]  }
0x3: {  	s1 =	rddreg [dreg:$0x2]  }
0x4: {  	s2 =	srdreg.scid;
	s0 =	rddreg [dreg:$0x3]  }
0x5: {  	s3 =	simm.s32 $0x0;
	s17 =	simm.s32 $0x3;
	s18 =	simm.s32 $0x1400  }
0x6: {  	s19 =	simm.s32 $0x80;
	s20 =	simm.s32 $0x1;
	s6 =	sand.u32 $0x1, s2  }
0x7: {  	s21 =	simm.s32 $0x2;
	s2 =	stileid.u32;
	s7 =	smul.u32 $0x140000, s6  }
0x8: {  	[smem:$0x7FF] =	sst s3;
	s4 =	sadd.s32 $0x2C00, s5;
	s8 =	smul.u32 $0x14000, s2  }
0x9: {  	s31 =	sshll.u32 s6, $0x4;
	s9 =	smul.u32 $0x50000, s2;
	s6 =	ssub.s32 $0x2, s6  }
0xa: {  	s12 =	sadd.s32 $0x52C00, s5;
	_ =	strace $0x8000004A;
	s10 =	sshrl.u32 s6, $0x1  }
0xb: {  	s7 =	sadd.s32 s8, s7;
	s8 =	sor.u32 s2, s31;
	s9 =	sshrl.u32 s9, $0x2  }
0xc: {  	s15 =	ssub.s32 s6, s10;
	s7 =	sshrl.u32 s7, $0x3;
	s8 =	smul.u32 $0x2800, s8  }
0xd: {  	s15 =	smax.u32 s15, $0x1;
	s14 =	sadd.s32 s7, s5;
	s5 =	sadd.s32 s9, s1  }
0xe: {  	s6 =	sadd.s32 $0x4000, s5;
	s7 =	sadd.s32 $0x8000, s5;
	s11 =	sshrl.u32 s8, $0x3  }
0xf: {  	s8 =	sadd.s32 $0xC000, s5;
	s9 =	sadd.s32 $0x10000, s5;
	s14 =	sadd.s32 $0x84C00, s14  }
0x10: {  	s16 =	sadd.s32 $0x280, s11;
	s10 =	sadd.s32 s12, s11;
	s11 =	sadd.s32 s13, s11  }
0x11: {  	v0 =	vimm.f32 $0.0e+00;
	s12 =	sadd.s32 s12, s16;
	s13 =	sadd.s32 s13, s16;
	s16 =	simm.s32 $0x2800  }
.LBB2_1:
0x12: {  	s22 =	simm.s32 $0x0;
	s23 =	simm.s32 $0x200  }
.LBB2_2:
0x13: {  	p0 =	sne.s32 s23, $0xFE00;
	[tilespmem:s22+$0x2870] =	vst v0  }
0x14: {  	[tilespmem:s22+$0x2800] =	vst v0  }
0x15: {  	[tilespmem:s22+$0x2810] =	vst v0  }
.Ltmp0:
0x16: {  	[tilespmem:s22+$0x2820] =	vst v0;
	(pc) =	sbr.rel @p0 .LBB2_2-.Ltmp0, $4  }
0x17: {  	[tilespmem:s22+$0x2830] =	vst v0  }
0x18: {  	[tilespmem:s22+$0x2840] =	vst v0  }
0x19: {  	[tilespmem:s22+$0x2850] =	vst v0  }
0x1a: {  	[tilespmem:s22+$0x2860] =	vst v0;
	s22 =	sshra.s32 s23, $0x2;
	s23 =	sadd.s32 $0x200, s23  }
0x1b: {  	[tilespmem:s22+$0x2870] =	vst v0  }
0x1c: {  	[tilespmem:s22+$0x2800] =	vst v0  }
0x1d: {  	[tilespmem:s22+$0x2810] =	vst v0  }
0x1e: {  	[tilespmem:s22+$0x2820] =	vst v0  }
0x1f: {  	[tilespmem:s22+$0x2830] =	vst v0  }
0x20: {  	[tilespmem:s22+$0x2840] =	vst v0  }
0x21: {  	[tilespmem:s22+$0x2850] =	vst v0  }
0x22: {  	[tilespmem:s22+$0x2860] =	vst v0  }
0x23: {  	[spmem:s5] =	stream.linear.scatter [tilespmem:s16], [sflag:$0x3], $0x4000, $0x38;
	[tilespmem:$0x1A800] =	vst v63  }
0x24: {  	_ =	swait.ge [sflag:s17], $0x4000  }
0x25: {  	[sflag:s17] =	ssyncset.done $0x0  }
0x26: {  	[sflag:s17] =	ssyncadd.s32 $0xFFFFC000  }
0x27: {  	[spmem:s6] =	stream.linear.scatter [tilespmem:s16], [sflag:$0x3], $0x4000, $0x38;
	[tilespmem:$0x1A800] =	vst v63  }
0x28: {  	_ =	swait.ge [sflag:s17], $0x4000  }
0x29: {  	[sflag:s17] =	ssyncset.done $0x0  }
0x2a: {  	[sflag:s17] =	ssyncadd.s32 $0xFFFFC000  }
0x2b: {  	[spmem:s7] =	stream.linear.scatter [tilespmem:s16], [sflag:$0x3], $0x4000, $0x38;
	[tilespmem:$0x1A800] =	vst v63  }
0x2c: {  	_ =	swait.ge [sflag:s17], $0x4000  }
0x2d: {  	[sflag:s17] =	ssyncset.done $0x0  }
0x2e: {  	[sflag:s17] =	ssyncadd.s32 $0xFFFFC000  }
0x2f: {  	[spmem:s8] =	stream.linear.scatter [tilespmem:s16], [sflag:$0x3], $0x4000, $0x38;
	[tilespmem:$0x1A800] =	vst v63  }
0x30: {  	_ =	swait.ge [sflag:s17], $0x4000  }
0x31: {  	[sflag:s17] =	ssyncset.done $0x0  }
0x32: {  	[sflag:s17] =	ssyncadd.s32 $0xFFFFC000  }
0x33: {  	[spmem:s9] =	stream.linear.scatter [tilespmem:s16], [sflag:$0x3], $0x4000, $0x38;
	[tilespmem:$0x1A800] =	vst v63  }
0x34: {  	_ =	swait.ge [sflag:s17], $0x4000  }
0x35: {  	[sflag:s17] =	ssyncset.done $0x0  }
0x36: {  	[sflag:s17] =	ssyncadd.s32 $0xFFFFC000  }
0x37: {  	s29 =	simm.s32 $0x0;
	[bflag:$0x0] =	sbarrier.arrive $0xFFFF  }
0x38: {  	[tilespmem:s29], [sflag:$0x3] =	stream.linear.gather [hbm4b:s10+s29], $0x1400, $0x38;
	[tilespmem:$0x1A800] =	vst v63  }
0x39: {  	_ =	swait.ge [sflag:s17], $0x1400  }
0x3a: {  	[sflag:s17] =	ssyncset.done $0x0  }
0x3b: {  	[sflag:s17] =	ssyncadd.s32 $0xFFFFEC00  }
0x3c: {  	[tilespmem:s18], [sflag:$0x3] =	stream.linear.gather [hbm4b:s11+s29], $0x1400, $0x38;
	[tilespmem:$0x1A800] =	vst v63  }
0x3d: {  	_ =	swait.ge [sflag:s17], $0x1400  }
0x3e: {  	[sflag:s17] =	ssyncset.done $0x0  }
0x3f: {  	s30 =	simm.s32 $0x0;
	[sflag:s17] =	ssyncadd.s32 $0xFFFFEC00  }
0x40: {  	[tilespmem:s16], [sflag:$0x1] =	stream.indirect.gather [hbm4b:s4+s19], $0x80, s30, s19, $0xb8;
	[tilespmem:$0x1A800] =	vst v63  }
0x41: {  	_ =	swait.ge [sflag:s20], $0x4000  }
0x42: {  	[sflag:s20] =	ssyncset.done $0x0  }
0x43: {  	s31 =	simm.s32 $0x1400;
	[sflag:s20] =	ssyncadd.s32 $0xFFFFC000  }
0x44: {  	[spmem:s1] =	stream.indirect.scatter.add.f32 [tilespmem:s16], [sflag:$0x2], $0x80, s31, s19, $0xb8;
	[tilespmem:$0x1A800] =	vst v63  }
0x45: {  	_ =	swait.ge [sflag:s21], $0x4000  }
0x46: {  	s22 =	simm.s32 $0x200;
	s23 =	simm.s32 $0x400;
	[sflag:s21] =	ssyncset.done $0x0  }
.LBB2_4:
0x47: {  	s24 =	sshra.s32 s22, $0x2  }
0x48: {  	[sflag:s21] =	ssyncadd.s32 $0xFFFFC000;
	s22 =	smov.u32 s23;
	s25 =	sadd.s32 $0x200, s23  }
0x49: {  	[tilespmem:s16], [sflag:$0x1] =	stream.indirect.gather [hbm4b:s4+s19], $0x80, s24, s19, $0xb8;
	[tilespmem:$0x1A800] =	vst v63  }
0x4a: {  	p0 =	sne.s32 s23, $0x4E00;
	_ =	swait.ge [sflag:s20], $0x4000  }
.Ltmp1:
0x4b: {  	[sflag:s20] =	ssyncset.done $0x0;
	(pc) =	sbr.rel @p0 .LBB2_4-.Ltmp1, $4  }
0x4c: {  	s23 =	sadd.s32 $0x1400, s24;
	[sflag:s20] =	ssyncadd.s32 $0xFFFFC000  }
0x4d: {  	[spmem:s1] =	stream.indirect.scatter.add.f32 [tilespmem:s16], [sflag:$0x2], $0x80, s23, s19, $0xb8;
	[tilespmem:$0x1A800] =	vst v63  }
0x4e: {  	_ =	swait.ge [sflag:s21], $0x4000  }
0x4f: {  	s23 =	smov.u32 s25;
	[sflag:s21] =	ssyncset.done $0x0  }
0x50: {  	s22 =	sshra.s32 s22, $0x2;
	[sflag:s21] =	ssyncadd.s32 $0xFFFFC000  }
0x51: {  	[tilespmem:s16], [sflag:$0x1] =	stream.indirect.gather [hbm4b:s4+s19], $0x80, s22, s19, $0xb8;
	[tilespmem:$0x1A800] =	vst v63  }
0x52: {  	_ =	swait.ge [sflag:s20], $0x4000  }
0x53: {  	[sflag:s20] =	ssyncset.done $0x0  }
0x54: {  	s22 =	sadd.s32 $0x1400, s22;
	[sflag:s20] =	ssyncadd.s32 $0xFFFFC000  }
0x55: {  	[spmem:s1] =	stream.indirect.scatter.add.f32 [tilespmem:s16], [sflag:$0x2], $0x80, s22, s19, $0xb8;
	[tilespmem:$0x1A800] =	vst v63  }
0x56: {  	_ =	swait.ge [sflag:s21], $0x4000  }
0x57: {  	[sflag:s21] =	ssyncset.done $0x0  }
0x58: {  	s29 =	simm.s32 $0x0;
	[sflag:s21] =	ssyncadd.s32 $0xFFFFC000  }
0x59: {  	[tilespmem:s29], [sflag:$0x3] =	stream.linear.gather [hbm4b:s12+s29], $0x1400, $0x38;
	[tilespmem:$0x1A800] =	vst v63  }
0x5a: {  	_ =	swait.ge [sflag:s17], $0x1400  }
0x5b: {  	[sflag:s17] =	ssyncset.done $0x0  }
0x5c: {  	[sflag:s17] =	ssyncadd.s32 $0xFFFFEC00  }
0x5d: {  	[tilespmem:s18], [sflag:$0x3] =	stream.linear.gather [hbm4b:s13+s29], $0x1400, $0x38;
	[tilespmem:$0x1A800] =	vst v63  }
0x5e: {  	_ =	swait.ge [sflag:s17], $0x1400  }
0x5f: {  	[sflag:s17] =	ssyncset.done $0x0  }
0x60: {  	s30 =	simm.s32 $0x0;
	[sflag:s17] =	ssyncadd.s32 $0xFFFFEC00  }
0x61: {  	[tilespmem:s16], [sflag:$0x1] =	stream.indirect.gather [hbm4b:s4+s19], $0x80, s30, s19, $0xb8;
	[tilespmem:$0x1A800] =	vst v63  }
0x62: {  	_ =	swait.ge [sflag:s20], $0x4000  }
0x63: {  	[sflag:s20] =	ssyncset.done $0x0  }
0x64: {  	s31 =	simm.s32 $0x1400;
	[sflag:s20] =	ssyncadd.s32 $0xFFFFC000  }
0x65: {  	[spmem:s1] =	stream.indirect.scatter.add.f32 [tilespmem:s16], [sflag:$0x2], $0x80, s31, s19, $0xb8;
	[tilespmem:$0x1A800] =	vst v63  }
0x66: {  	_ =	swait.ge [sflag:s21], $0x4000  }
0x67: {  	s23 =	simm.s32 $0x400;
	s22 =	simm.s32 $0x200;
	[sflag:s21] =	ssyncset.done $0x0  }
.LBB2_6:
0x68: {  	s24 =	sshra.s32 s22, $0x2  }
0x69: {  	[sflag:s21] =	ssyncadd.s32 $0xFFFFC000;
	s22 =	smov.u32 s23;
	s25 =	sadd.s32 $0x200, s23  }
0x6a: {  	[tilespmem:s16], [sflag:$0x1] =	stream.indirect.gather [hbm4b:s4+s19], $0x80, s24, s19, $0xb8;
	[tilespmem:$0x1A800] =	vst v63  }
0x6b: {  	p0 =	sne.s32 s23, $0x4E00;
	_ =	swait.ge [sflag:s20], $0x4000  }
.Ltmp2:
0x6c: {  	[sflag:s20] =	ssyncset.done $0x0;
	(pc) =	sbr.rel @p0 .LBB2_6-.Ltmp2, $4  }
0x6d: {  	s23 =	sadd.s32 $0x1400, s24;
	[sflag:s20] =	ssyncadd.s32 $0xFFFFC000  }
0x6e: {  	[spmem:s1] =	stream.indirect.scatter.add.f32 [tilespmem:s16], [sflag:$0x2], $0x80, s23, s19, $0xb8;
	[tilespmem:$0x1A800] =	vst v63  }
0x6f: {  	_ =	swait.ge [sflag:s21], $0x4000  }
0x70: {  	s23 =	smov.u32 s25;
	[sflag:s21] =	ssyncset.done $0x0  }
0x71: {  	s22 =	sshra.s32 s22, $0x2;
	[sflag:s21] =	ssyncadd.s32 $0xFFFFC000  }
0x72: {  	[tilespmem:s16], [sflag:$0x1] =	stream.indirect.gather [hbm4b:s4+s19], $0x80, s22, s19, $0xb8;
	[tilespmem:$0x1A800] =	vst v63  }
0x73: {  	_ =	swait.ge [sflag:s20], $0x4000  }
0x74: {  	[sflag:s20] =	ssyncset.done $0x0  }
0x75: {  	s22 =	sadd.s32 $0x1400, s22;
	[sflag:s20] =	ssyncadd.s32 $0xFFFFC000  }
0x76: {  	[spmem:s1] =	stream.indirect.scatter.add.f32 [tilespmem:s16], [sflag:$0x2], $0x80, s22, s19, $0xb8;
	[tilespmem:$0x1A800] =	vst v63  }
0x77: {  	_ =	swait.ge [sflag:s21], $0x4000  }
0x78: {  	s31 =	sshll.u32 s2, $0x6;
	s3 =	sadd.s32 $0x1, s3;
	[sflag:s21] =	ssyncset.done $0x0  }
0x79: {  	s23 =	sshrl.u32 s5, $0x3;
	p0 =	sne.s32 s3, s15;
	[sflag:s21] =	ssyncadd.s32 $0xFFFFC000  }
.Ltmp3:
0x7a: {  	s22 =	sor.u32 $0x1C03, s31;
	[bflag:$0x0] =	sbarrier.arrive $0xFFFF;
	(pc) =	sbr.rel @p0 .LBB2_1-.Ltmp3, $4  }
0x7b: {  	[hbm:s14], [sflag:s22] =	dma.local [spmem:s23], $0x2800  }
0x7c: {  	_ =	swait.ge [sflag:s17], $0x2800  }
0x7d: {  	[sflag:s17] =	ssyncset.done $0x0  }
0x7e: {  	[sflag:s17] =	ssyncadd.s32 $0xFFFFD800  }
0x7f: {  	_ =	sfence.sel $0x180000  }
0x80: {  	[bflag:$0x0] =	sbarrier.arrive $0xFFFF  }
0x81: {  	p0 =	sne.s32 s2, $0x0;
	_ =	strace $0x9000004A  }
0x82: {  	s0 =	sadd.s32 @!p0 $0x100000, s0;
	[bflag:$0x2] =	sbarrier.arrive $0xFFFF  }
0x83: {  	[sflag:s0] =	ssyncadd.tile.s32 @!p0 $0x1;
	_ =	shalt  }
.Lfunc_end2:
_tile_overlayer_lowered:
.L_overlay_start_2:
0x84: {  	(tag) =	ssettag $0x2  }
0x85: {  	s0 =	rddreg [dreg:$0x0];
	s2 =	stileid.u32  }
0x86: {  	s1 =	rddreg [dreg:$0x1];
	p0 =	sne.s32 s2, $0x0  }
0x87: {  	s3 =	rddreg [dreg:$0x2];
	[bflag:$0x3] =	sbarrier.arrive $0xFFFF;
	s2 =	simm.s32 @!p0 $0x1C03  }
0x88: {  	[timem:s3], [sflag:s2] =	dma.local @!p0 [hbm:s0], s1  }
0x89: {  	s0 =	simm.s32 @!p0 $0x3  }
0x8a: {  	_ =	swait.ge @!p0 [sflag:s0], s1  }
0x8b: {  	s1 =	ssub.s32 @!p0 $0x0, s1;
	[sflag:s0] =	ssyncset.done @!p0 $0x0  }
0x8c: {  	[sflag:s0] =	ssyncadd.s32 @!p0 s1  }
0x8d: {  	[bflag:$0x3] =	sbarrier.arrive $0xFFFF  }
0x8e: {  	_ =	shalt  }

// kernel: kernel.14.cloned.1.call-start
scs
__scs_entry_jumppad:
0x0: {  	(pc) =	sbr.rel $0x88, $3  }
0x1: {  	(tag) =	ssettag $0x0;
	lr =	simm.s32 $0x1  }
0x2: {  	[smem:$0x3F9B] =	sst lr;
	_ =	strace $0xD0000000  }
0x3: {  	_ = 	snop  }
0x4: {  	_ = 	snop  }
0x5: {  	_ = 	snop  }
0x6: {  	_ = 	snop  }
0x7: {  	_ = 	snop  }
__scs_overlays_trampoline_lowered:
0x8: {  	[smem:$0x3FAA] =	sst s0  }
0x9: {  	[smem:$0x3FAB] =	sst s1  }
0xa: {  	[smem:$0x3FAC] =	sst s2  }
0xb: {  	[smem:$0x3FAD] =	sst s3  }
0xc: {  	[smem:$0x3FAE] =	sst s4  }
0xd: {  	[smem:$0x3FAF] =	sst s5  }
0xe: {  	[smem:$0x3FB0] =	sst s6  }
0xf: {  	[smem:$0x3FB1] =	sst s7  }
0x10: {  	[smem:$0x3FB2] =	sst s8  }
0x11: {  	[smem:$0x3FB3] =	sst s9;
	s0 =	simm.s32 @!p0 $0x0  }
0x12: {  	s1 =	sld [smem:$0x3F99];
	s0 =	simm.s32 @p0 $0x1  }
0x13: {  	[smem:$0x3FB4] =	sst s0;
	s0 =	simm.s32 @!p1 $0x0  }
0x14: {  	s2 =	sld [smem:$0x3F98];
	s0 =	simm.s32 @p1 $0x1  }
0x15: {  	[smem:$0x3FB5] =	sst s0;
	s0 =	simm.s32 @!p2 $0x0  }
0x16: {  	s3 =	sld [smem:$0x3FDB];
	s0 =	simm.s32 @p2 $0x1  }
0x17: {  	s4 =	simm.s32 $0x1BF5;
	[smem:$0x3FB7] =	sst s0  }
0x18: {  	s0 =	sld [smem:$0x3F9A];
	_ =	swait.ge [sflag:s4], $0x0  }
0x19: {  	s7 =	sld [smem:$0x3F9B]  }
0x1a: {  	s8 =	sadd.s32 $0xFFFFE003, lr  }
0x1b: {  	s9 =	sadd.s32 $0xFFFFFEF7, lr;
	s5 =	simm.s32 $0xFFFFFFFF;
	p2 =	slt.u32 s8, $0xFFFFF086  }
0x1c: {  	p1 =	slt.u32 s9, $0xF7A;
	s5 =	simm.s32 @!p2 $0x0  }
0x1d: {  	s5 =	simm.s32 @p1 $0x1;
	p0 =	seq.s32 s7, s2  }
0x1e: {  	s7 =	smul.u32 @!p0 $0xF7A, s2;
	p2 =	seq.s32 @!p0 s5, $0x0  }
0x1f: {  	s9 =	smul.u32 $0xF7A, s1;
	s8 =	simm.s32 @!p0 $0x1BF5;
	p2 =	por !p2, p0  }
0x20: {  	[sflag:s8] =	ssyncset.s32 @!p0 $0xFFFFF086;
	s6 =	sadd.s32 @!p0 s3, s7;
	s7 =	simm.s32 @!p0 $0x108  }
0x21: {  	s3 =	sadd.s32 s3, s9;
	s6 =	sadd.s32 @!p0 $0x88, s6;
	s7 =	simm.s32 @p2 $0x1082  }
0x22: {  	[simem:s7], [sflag:s8] =	dma.local @!p0 [hbm:s6], $0xF7A  }
0x23: {  	s9 =	sor.u32 $0xD0000000, s2;
	s6 =	simm.s32 $0x108;
	_ =	swait.ge @!p0 [sflag:s8], $0x0  }
0x24: {  	s3 =	sadd.s32 $0x88, s3;
	s6 =	simm.s32 @!p1 $0x1082;
	[sflag:s4] =	ssyncset.s32 $0xFFFFF086  }
0x25: {  	[simem:s6], [sflag:s4] =	dma.local [hbm:s3], $0xF7A  }
0x26: {  	[smem:$0x3F9B] =	sst s1;
	(tag) =	ssettag s2;
	_ =	strace s9  }
0x27: {  	s1 =	sld [smem:$0x3FAB]  }
0x28: {  	s2 =	sld [smem:$0x3FAC]  }
0x29: {  	s4 =	sld [smem:$0x3FAE]  }
0x2a: {  	p0 =	seq.s32 s5, $0x0;
	s5 =	sld [smem:$0x3FAF]  }
0x2b: {  	s6 =	sld [smem:$0x3FB0]  }
0x2c: {  	s7 =	sld [smem:$0x3FB1]  }
0x2d: {  	s3 =	simm.s32 $0x108;
	s8 =	sld [smem:$0x3FB2]  }
0x2e: {  	s3 =	simm.s32 @!p0 $0x1082;
	s9 =	sld [smem:$0x3FB3]  }
0x2f: {  	lr =	sadd.s32 s0, s3;
	s0 =	sld [smem:$0x3FAA]  }
0x30: {  	s3 =	sld [smem:$0x3FAD]  }
0x31: {  	[smem:$0x3FB6] =	sst s10  }
0x32: {  	s10 =	sld [smem:$0x3FB4];
	_ =	sdelay $0x3  }
0x33: {  	p0 =	seq.s32 s10, $0x1;
	s10 =	sld [smem:$0x3FB6];
	_ =	sdelay $0x3  }
0x34: {  	[smem:$0x3FB6] =	sst s10  }
0x35: {  	s10 =	sld [smem:$0x3FB5];
	_ =	sdelay $0x3  }
0x36: {  	p1 =	seq.s32 s10, $0x1;
	s10 =	sld [smem:$0x3FB6];
	_ =	sdelay $0x3  }
0x37: {  	[smem:$0x3FB6] =	sst s10  }
0x38: {  	s10 =	sld [smem:$0x3FB7]  }
0x39: {  	_ = 	snop;
	(pc) =	sbr.ind lr, $3  }
0x3a: {  	_ = 	snop  }
0x3b: {  	_ = 	snop  }
0x3c: {  	p2 =	seq.s32 s10, $0x1;
	s10 =	sld [smem:$0x3FB6]  }
0x3d: {  	_ =	shalt  }
0x3e: {  	_ =	shalt  }
0x3f: {  	_ =	shalt  }
0x40: {  	_ =	shalt  }
0x41: {  	_ =	shalt  }
0x42: {  	_ =	shalt  }
0x43: {  	_ =	shalt  }
0x44: {  	_ =	shalt  }
0x45: {  	_ =	shalt  }
0x46: {  	_ =	shalt  }
0x47: {  	_ =	shalt  }
0x48: {  	_ =	shalt  }
0x49: {  	_ =	shalt  }
0x4a: {  	_ =	shalt  }
0x4b: {  	_ =	shalt  }
0x4c: {  	_ =	shalt  }
0x4d: {  	_ =	shalt  }
0x4e: {  	_ =	shalt  }
0x4f: {  	_ =	shalt  }
0x50: {  	_ =	shalt  }
0x51: {  	_ =	shalt  }
0x52: {  	_ =	shalt  }
0x53: {  	_ =	shalt  }
0x54: {  	_ =	shalt  }
0x55: {  	_ =	shalt  }
0x56: {  	_ =	shalt  }
0x57: {  	_ =	shalt  }
0x58: {  	_ =	shalt  }
0x59: {  	_ =	shalt  }
0x5a: {  	_ =	shalt  }
0x5b: {  	_ =	shalt  }
0x5c: {  	_ =	shalt  }
0x5d: {  	_ =	shalt  }
0x5e: {  	_ =	shalt  }
0x5f: {  	_ =	shalt  }
0x60: {  	_ =	shalt  }
0x61: {  	_ =	shalt  }
0x62: {  	_ =	shalt  }
0x63: {  	_ =	shalt  }
0x64: {  	_ =	shalt  }
0x65: {  	_ =	shalt  }
0x66: {  	_ =	shalt  }
0x67: {  	_ =	shalt  }
0x68: {  	_ =	shalt  }
0x69: {  	_ =	shalt  }
0x6a: {  	_ =	shalt  }
0x6b: {  	_ =	shalt  }
0x6c: {  	_ =	shalt  }
0x6d: {  	_ =	shalt  }
0x6e: {  	_ =	shalt  }
0x6f: {  	_ =	shalt  }
0x70: {  	_ =	shalt  }
0x71: {  	_ =	shalt  }
0x72: {  	_ =	shalt  }
0x73: {  	_ =	shalt  }
0x74: {  	_ =	shalt  }
0x75: {  	_ =	shalt  }
0x76: {  	_ =	shalt  }
0x77: {  	_ =	shalt  }
0x78: {  	_ =	shalt  }
0x79: {  	_ =	shalt  }
0x7a: {  	_ =	shalt  }
0x7b: {  	_ =	shalt  }
0x7c: {  	_ =	shalt  }
0x7d: {  	_ =	shalt  }
0x7e: {  	_ =	shalt  }
0x7f: {  	_ =	shalt  }
0x80: {  	_ =	shalt  }
0x81: {  	_ =	shalt  }
0x82: {  	_ =	shalt  }
0x83: {  	_ =	shalt  }
0x84: {  	_ =	shalt  }
0x85: {  	_ =	shalt  }
0x86: {  	_ =	shalt  }
0x87: {  	_ =	shalt  }
.Lfunc_end0:
.L_simem_size_0:
called_computation.2_lowered:
.L_overlay_start_0:
0x88: {  	s2 =	sld [smem:$0x3FD9]  }
0x89: {  	s3 =	sld [smem:$0x3FFE];
	_ =	sdelay $0x1  }
0x8a: {  	s1 =	srdreg.scid  }
0x8b: {  	s0 =	sand.u32 $0x1, s1  }
0x8c: {  	s17 =	sshll.u32 s0, $0xA;
	s2 =	sadd.s32 s3, s2  }
0x8d: {  	s2 =	sadd.s32 s2, s17  }
0x8e: {  	[smem:$0x3FC2] =	sst s2  }
0x8f: {  	_ = 	snop  }
0x90: {  	s2 =	sld [smem:$0x3FD0];
	(tm) =	ssettm $0x1  }
0x91: {  	s18 =	sld [smem:$0x3FFB];
	_ =	sdelay $0x3  }
0x92: {  	_ =	strace s18  }
0x93: {  	s3 =	sld [smem:$0x3FFC];
	_ =	sdelay $0x3  }
0x94: {  	_ =	strace s3  }
0x95: {  	s3 =	sld [smem:$0x3FFD];
	_ =	sdelay $0x3  }
0x96: {  	_ =	strace s3  }
0x97: {  	_ =	strace $0x8FFFFFFF  }
0x98: {  	s19 =	sld [smem:$0x3FDB];
	_ =	sdelay $0x1  }
0x99: {  	s4 =	simm.s32 $_scs_section_size  }
0x9a: {  	s5 =	simm.s32 $_size__tile_overlayer_lowered;
	s6 =	simm.s32 $_tile_overlayer_lowered  }
0x9b: {  	s22 =	simm.s32 $0x1BFF;
	s21 =	sshll.u32 s6, $0x1;
	s3 =	sadd.s32 s4, s19  }
0x9c: {  	s7 =	simm.s32 $0x0;
	s20 =	sshll.u32 s5, $0x1;
	s5 =	sadd.s32 s21, s3  }
0x9d: {  	[timem:s7], [sflag:s22] =	dma.local [hbm:s5], s20  }
0x9e: {  	_ =	swait.ge [sflag:s22], s20  }
0x9f: {  	s4 =	ssub.s32 $0x0, s20;
	[sflag:s22] =	ssyncset.done $0x0  }
0xa0: {  	[sflag:s22] =	ssyncadd.s32 s4;
	_ =	sdelay $0x1  }
0xa1: {  	s23 =	simm.s32 $0x1B8B  }
0xa2: {  	_ =	swait.ge [sflag:s23], $0x1  }
0xa3: {  	[sflag:s23] =	ssyncset.done $0x0  }
0xa4: {  	s25 =	simm.s32 $0x1B8E;
	s24 =	sld [smem:$0x3FFE];
	[sflag:s23] =	ssyncadd.s32 $0xFFFFFFFF  }
0xa5: {  	s26 =	simm.s32 $execute0_lowered;
	[smem:$0x3FD2] =	sst s25  }
0xa6: {  	s5 =	sshll.u32 s26, $0x1;
	_ =	strace $0x8000004C;
	[dreg:$0x1] =	wrdreg $0xFFFFFFFF  }
0xa7: {  	s28 =	simm.s32 $_size_execute0_lowered;
	s3 =	sadd.s32 s3, s5;
	[dreg:$0x0] =	wrdreg $0x0  }
0xa8: {  	s5 =	sshll.u32 s28, $0x1;
	[dreg:$0x2] =	wrdreg s3  }
0xa9: {  	[dreg:$0x3] =	wrdreg s5  }
0xaa: {  	[dreg:$0x4] =	wrdreg $0xC0  }
0xab: {  	_ =	task [dreg:s7], $0x5FFFF  }
0xac: {  	[dreg:$0x1] =	wrdreg $0xFFFFFFFF  }
0xad: {  	[dreg:$0x0] =	wrdreg $0x60  }
0xae: {  	[dreg:$0x2] =	wrdreg s24  }
0xaf: {  	[dreg:$0x3] =	wrdreg s2  }
0xb0: {  	[dreg:$0x4] =	wrdreg $0x68000  }
0xb1: {  	[dreg:$0x5] =	wrdreg $0x9  }
0xb2: {  	_ =	task.clear_ibuf [dreg:s7], $0x6FFFF;
	_ =	strace $0x9000004C  }
0xb3: {  	s29 =	simm.s32 $0x9;
	_ =	strace $0x8000004E  }
0xb4: {  	_ =	swait.ge [sflag:s29], $0x1  }
0xb5: {  	[sflag:s29] =	ssyncadd.s32 $0xFFFFFFFF  }
0xb6: {  	_ =	strace $0x9000004E  }
0xb7: {  	_ =	sfence  }
0xb8: {  	s30 =	sld [smem:$0x0];
	_ =	sdelay $0x2  }
0xb9: {  	s31 =	sshll.u32 s1, $0xD;
	s1 =	sshrl.u32 s1, $0x2  }
0xba: {  	s3 =	sand.u32 $0x4000, s31;
	s1 =	sadd.s32 s1, s30  }
0xbb: {  	s0 =	sor.u32 s3, s0;
	s1 =	sshll.u32 s1, $0x11  }
0xbc: {  	s0 =	sor.u32 s1, s0  }
0xbd: {  	s0 =	sadd.s32 $0x8F2B, s0  }
0xbe: {  	[sflag:s0] =	ssyncadd.remote.s32 $0x1  }
0xbf: {  	_ =	sfence.sel $0xFFFF  }
0xc0: {  	[dreg:$0x0] =	wrdreg $0xFFFFFFFF;
	(pc) =	sbr.abs _section_cstart, $3  }
0xc1: {  	[dreg:$0x1] =	wrdreg $0xFFFFFFFF  }
0xc2: {  	_ =	task.clear_ibuf [dreg:s7], $0x2FFFF;
	_ =	strace $0x9FFFFFFF  }
0xc3: {  	(tm) =	ssettm $0x7FFFFFFF  }
tec
execute0_lowered:
.L_overlay_start_1:
0x0: {  	(tag) =	ssettag $0x1  }
0x1: {  	s5 =	rddreg [dreg:$0x0]  }
0x2: {  	s13 =	rddreg [dreg:$0x1]  }
0x3: {  	s1 =	rddreg [dreg:$0x2]  }
0x4: {  	s2 =	srdreg.scid;
	s0 =	rddreg [dreg:$0x3]  }
0x5: {  	s3 =	simm.s32 $0x0;
	s17 =	simm.s32 $0x3;
	s18 =	simm.s32 $0x1400  }
0x6: {  	s19 =	simm.s32 $0x80;
	s20 =	simm.s32 $0x1;
	s6 =	sand.u32 $0x1, s2  }
0x7: {  	s21 =	simm.s32 $0x2;
	s2 =	stileid.u32;
	s7 =	smul.u32 $0x140000, s6  }
0x8: {  	[smem:$0x7FF] =	sst s3;
	s4 =	sadd.s32 $0x2C00, s5;
	s8 =	smul.u32 $0x14000, s2  }
0x9: {  	s31 =	sshll.u32 s6, $0x4;
	s9 =	smul.u32 $0x50000, s2;
	s6 =	ssub.s32 $0x2, s6  }
0xa: {  	s12 =	sadd.s32 $0x52C00, s5;
	_ =	strace $0x8000004D;
	s10 =	sshrl.u32 s6, $0x1  }
0xb: {  	s7 =	sadd.s32 s8, s7;
	s8 =	sor.u32 s2, s31;
	s9 =	sshrl.u32 s9, $0x2  }
0xc: {  	s15 =	ssub.s32 s6, s10;
	s7 =	sshrl.u32 s7, $0x3;
	s8 =	smul.u32 $0x2800, s8  }
0xd: {  	s15 =	smax.u32 s15, $0x1;
	s14 =	sadd.s32 s7, s5;
	s5 =	sadd.s32 s9, s1  }
0xe: {  	s6 =	sadd.s32 $0x4000, s5;
	s7 =	sadd.s32 $0x8000, s5;
	s11 =	sshrl.u32 s8, $0x3  }
0xf: {  	s8 =	sadd.s32 $0xC000, s5;
	s9 =	sadd.s32 $0x10000, s5;
	s14 =	sadd.s32 $0x84C00, s14  }
0x10: {  	s16 =	sadd.s32 $0x280, s11;
	s10 =	sadd.s32 s12, s11;
	s11 =	sadd.s32 s13, s11  }
0x11: {  	v0 =	vimm.f32 $0.0e+00;
	s12 =	sadd.s32 s12, s16;
	s13 =	sadd.s32 s13, s16;
	s16 =	simm.s32 $0x2800  }
.LBB2_1:
0x12: {  	s22 =	simm.s32 $0x0;
	s23 =	simm.s32 $0x200  }
.LBB2_2:
0x13: {  	p0 =	sne.s32 s23, $0xFE00;
	[tilespmem:s22+$0x2870] =	vst v0  }
0x14: {  	[tilespmem:s22+$0x2800] =	vst v0  }
0x15: {  	[tilespmem:s22+$0x2810] =	vst v0  }
.Ltmp0:
0x16: {  	[tilespmem:s22+$0x2820] =	vst v0;
	(pc) =	sbr.rel @p0 .LBB2_2-.Ltmp0, $4  }
0x17: {  	[tilespmem:s22+$0x2830] =	vst v0  }
0x18: {  	[tilespmem:s22+$0x2840] =	vst v0  }
0x19: {  	[tilespmem:s22+$0x2850] =	vst v0  }
0x1a: {  	[tilespmem:s22+$0x2860] =	vst v0;
	s22 =	sshra.s32 s23, $0x2;
	s23 =	sadd.s32 $0x200, s23  }
0x1b: {  	[tilespmem:s22+$0x2870] =	vst v0  }
0x1c: {  	[tilespmem:s22+$0x2800] =	vst v0  }
0x1d: {  	[tilespmem:s22+$0x2810] =	vst v0  }
0x1e: {  	[tilespmem:s22+$0x2820] =	vst v0  }
0x1f: {  	[tilespmem:s22+$0x2830] =	vst v0  }
0x20: {  	[tilespmem:s22+$0x2840] =	vst v0  }
0x21: {  	[tilespmem:s22+$0x2850] =	vst v0  }
0x22: {  	[tilespmem:s22+$0x2860] =	vst v0  }
0x23: {  	[spmem:s5] =	stream.linear.scatter [tilespmem:s16], [sflag:$0x3], $0x4000, $0x38;
	[tilespmem:$0x1A800] =	vst v63  }
0x24: {  	_ =	swait.ge [sflag:s17], $0x4000  }
0x25: {  	[sflag:s17] =	ssyncset.done $0x0  }
0x26: {  	[sflag:s17] =	ssyncadd.s32 $0xFFFFC000  }
0x27: {  	[spmem:s6] =	stream.linear.scatter [tilespmem:s16], [sflag:$0x3], $0x4000, $0x38;
	[tilespmem:$0x1A800] =	vst v63  }
0x28: {  	_ =	swait.ge [sflag:s17], $0x4000  }
0x29: {  	[sflag:s17] =	ssyncset.done $0x0  }
0x2a: {  	[sflag:s17] =	ssyncadd.s32 $0xFFFFC000  }
0x2b: {  	[spmem:s7] =	stream.linear.scatter [tilespmem:s16], [sflag:$0x3], $0x4000, $0x38;
	[tilespmem:$0x1A800] =	vst v63  }
0x2c: {  	_ =	swait.ge [sflag:s17], $0x4000  }
0x2d: {  	[sflag:s17] =	ssyncset.done $0x0  }
0x2e: {  	[sflag:s17] =	ssyncadd.s32 $0xFFFFC000  }
0x2f: {  	[spmem:s8] =	stream.linear.scatter [tilespmem:s16], [sflag:$0x3], $0x4000, $0x38;
	[tilespmem:$0x1A800] =	vst v63  }
0x30: {  	_ =	swait.ge [sflag:s17], $0x4000  }
0x31: {  	[sflag:s17] =	ssyncset.done $0x0  }
0x32: {  	[sflag:s17] =	ssyncadd.s32 $0xFFFFC000  }
0x33: {  	[spmem:s9] =	stream.linear.scatter [tilespmem:s16], [sflag:$0x3], $0x4000, $0x38;
	[tilespmem:$0x1A800] =	vst v63  }
0x34: {  	_ =	swait.ge [sflag:s17], $0x4000  }
0x35: {  	[sflag:s17] =	ssyncset.done $0x0  }
0x36: {  	[sflag:s17] =	ssyncadd.s32 $0xFFFFC000  }
0x37: {  	s29 =	simm.s32 $0x0;
	[bflag:$0x0] =	sbarrier.arrive $0xFFFF  }
0x38: {  	[tilespmem:s29], [sflag:$0x3] =	stream.linear.gather [hbm4b:s10+s29], $0x1400, $0x38;
	[tilespmem:$0x1A800] =	vst v63  }
0x39: {  	_ =	swait.ge [sflag:s17], $0x1400  }
0x3a: {  	[sflag:s17] =	ssyncset.done $0x0  }
0x3b: {  	[sflag:s17] =	ssyncadd.s32 $0xFFFFEC00  }
0x3c: {  	[tilespmem:s18], [sflag:$0x3] =	stream.linear.gather [hbm4b:s11+s29], $0x1400, $0x38;
	[tilespmem:$0x1A800] =	vst v63  }
0x3d: {  	_ =	swait.ge [sflag:s17], $0x1400  }
0x3e: {  	[sflag:s17] =	ssyncset.done $0x0  }
0x3f: {  	s30 =	simm.s32 $0x0;
	[sflag:s17] =	ssyncadd.s32 $0xFFFFEC00  }
0x40: {  	[tilespmem:s16], [sflag:$0x1] =	stream.indirect.gather [hbm4b:s4+s19], $0x80, s30, s19, $0xb8;
	[tilespmem:$0x1A800] =	vst v63  }
0x41: {  	_ =	swait.ge [sflag:s20], $0x4000  }
0x42: {  	[sflag:s20] =	ssyncset.done $0x0  }
0x43: {  	s31 =	simm.s32 $0x1400;
	[sflag:s20] =	ssyncadd.s32 $0xFFFFC000  }
0x44: {  	[spmem:s1] =	stream.indirect.scatter.add.f32 [tilespmem:s16], [sflag:$0x2], $0x80, s31, s19, $0xb8;
	[tilespmem:$0x1A800] =	vst v63  }
0x45: {  	_ =	swait.ge [sflag:s21], $0x4000  }
0x46: {  	s22 =	simm.s32 $0x200;
	s23 =	simm.s32 $0x400;
	[sflag:s21] =	ssyncset.done $0x0  }
.LBB2_4:
0x47: {  	s24 =	sshra.s32 s22, $0x2  }
0x48: {  	[sflag:s21] =	ssyncadd.s32 $0xFFFFC000;
	s22 =	smov.u32 s23;
	s25 =	sadd.s32 $0x200, s23  }
0x49: {  	[tilespmem:s16], [sflag:$0x1] =	stream.indirect.gather [hbm4b:s4+s19], $0x80, s24, s19, $0xb8;
	[tilespmem:$0x1A800] =	vst v63  }
0x4a: {  	p0 =	sne.s32 s23, $0x4E00;
	_ =	swait.ge [sflag:s20], $0x4000  }
.Ltmp1:
0x4b: {  	[sflag:s20] =	ssyncset.done $0x0;
	(pc) =	sbr.rel @p0 .LBB2_4-.Ltmp1, $4  }
0x4c: {  	s23 =	sadd.s32 $0x1400, s24;
	[sflag:s20] =	ssyncadd.s32 $0xFFFFC000  }
0x4d: {  	[spmem:s1] =	stream.indirect.scatter.add.f32 [tilespmem:s16], [sflag:$0x2], $0x80, s23, s19, $0xb8;
	[tilespmem:$0x1A800] =	vst v63  }
0x4e: {  	_ =	swait.ge [sflag:s21], $0x4000  }
0x4f: {  	s23 =	smov.u32 s25;
	[sflag:s21] =	ssyncset.done $0x0  }
0x50: {  	s22 =	sshra.s32 s22, $0x2;
	[sflag:s21] =	ssyncadd.s32 $0xFFFFC000  }
0x51: {  	[tilespmem:s16], [sflag:$0x1] =	stream.indirect.gather [hbm4b:s4+s19], $0x80, s22, s19, $0xb8;
	[tilespmem:$0x1A800] =	vst v63  }
0x52: {  	_ =	swait.ge [sflag:s20], $0x4000  }
0x53: {  	[sflag:s20] =	ssyncset.done $0x0  }
0x54: {  	s22 =	sadd.s32 $0x1400, s22;
	[sflag:s20] =	ssyncadd.s32 $0xFFFFC000  }
0x55: {  	[spmem:s1] =	stream.indirect.scatter.add.f32 [tilespmem:s16], [sflag:$0x2], $0x80, s22, s19, $0xb8;
	[tilespmem:$0x1A800] =	vst v63  }
0x56: {  	_ =	swait.ge [sflag:s21], $0x4000  }
0x57: {  	[sflag:s21] =	ssyncset.done $0x0  }
0x58: {  	s29 =	simm.s32 $0x0;
	[sflag:s21] =	ssyncadd.s32 $0xFFFFC000  }
0x59: {  	[tilespmem:s29], [sflag:$0x3] =	stream.linear.gather [hbm4b:s12+s29], $0x1400, $0x38;
	[tilespmem:$0x1A800] =	vst v63  }
0x5a: {  	_ =	swait.ge [sflag:s17], $0x1400  }
0x5b: {  	[sflag:s17] =	ssyncset.done $0x0  }
0x5c: {  	[sflag:s17] =	ssyncadd.s32 $0xFFFFEC00  }
0x5d: {  	[tilespmem:s18], [sflag:$0x3] =	stream.linear.gather [hbm4b:s13+s29], $0x1400, $0x38;
	[tilespmem:$0x1A800] =	vst v63  }
0x5e: {  	_ =	swait.ge [sflag:s17], $0x1400  }
0x5f: {  	[sflag:s17] =	ssyncset.done $0x0  }
0x60: {  	s30 =	simm.s32 $0x0;
	[sflag:s17] =	ssyncadd.s32 $0xFFFFEC00  }
0x61: {  	[tilespmem:s16], [sflag:$0x1] =	stream.indirect.gather [hbm4b:s4+s19], $0x80, s30, s19, $0xb8;
	[tilespmem:$0x1A800] =	vst v63  }
0x62: {  	_ =	swait.ge [sflag:s20], $0x4000  }
0x63: {  	[sflag:s20] =	ssyncset.done $0x0  }
0x64: {  	s31 =	simm.s32 $0x1400;
	[sflag:s20] =	ssyncadd.s32 $0xFFFFC000  }
0x65: {  	[spmem:s1] =	stream.indirect.scatter.add.f32 [tilespmem:s16], [sflag:$0x2], $0x80, s31, s19, $0xb8;
	[tilespmem:$0x1A800] =	vst v63  }
0x66: {  	_ =	swait.ge [sflag:s21], $0x4000  }
0x67: {  	s23 =	simm.s32 $0x400;
	s22 =	simm.s32 $0x200;
	[sflag:s21] =	ssyncset.done $0x0  }
.LBB2_6:
0x68: {  	s24 =	sshra.s32 s22, $0x2  }
0x69: {  	[sflag:s21] =	ssyncadd.s32 $0xFFFFC000;
	s22 =	smov.u32 s23;
	s25 =	sadd.s32 $0x200, s23  }
0x6a: {  	[tilespmem:s16], [sflag:$0x1] =	stream.indirect.gather [hbm4b:s4+s19], $0x80, s24, s19, $0xb8;
	[tilespmem:$0x1A800] =	vst v63  }
0x6b: {  	p0 =	sne.s32 s23, $0x4E00;
	_ =	swait.ge [sflag:s20], $0x4000  }
.Ltmp2:
0x6c: {  	[sflag:s20] =	ssyncset.done $0x0;
	(pc) =	sbr.rel @p0 .LBB2_6-.Ltmp2, $4  }
0x6d: {  	s23 =	sadd.s32 $0x1400, s24;
	[sflag:s20] =	ssyncadd.s32 $0xFFFFC000  }
0x6e: {  	[spmem:s1] =	stream.indirect.scatter.add.f32 [tilespmem:s16], [sflag:$0x2], $0x80, s23, s19, $0xb8;
	[tilespmem:$0x1A800] =	vst v63  }
0x6f: {  	_ =	swait.ge [sflag:s21], $0x4000  }
0x70: {  	s23 =	smov.u32 s25;
	[sflag:s21] =	ssyncset.done $0x0  }
0x71: {  	s22 =	sshra.s32 s22, $0x2;
	[sflag:s21] =	ssyncadd.s32 $0xFFFFC000  }
0x72: {  	[tilespmem:s16], [sflag:$0x1] =	stream.indirect.gather [hbm4b:s4+s19], $0x80, s22, s19, $0xb8;
	[tilespmem:$0x1A800] =	vst v63  }
0x73: {  	_ =	swait.ge [sflag:s20], $0x4000  }
0x74: {  	[sflag:s20] =	ssyncset.done $0x0  }
0x75: {  	s22 =	sadd.s32 $0x1400, s22;
	[sflag:s20] =	ssyncadd.s32 $0xFFFFC000  }
0x76: {  	[spmem:s1] =	stream.indirect.scatter.add.f32 [tilespmem:s16], [sflag:$0x2], $0x80, s22, s19, $0xb8;
	[tilespmem:$0x1A800] =	vst v63  }
0x77: {  	_ =	swait.ge [sflag:s21], $0x4000  }
0x78: {  	s31 =	sshll.u32 s2, $0x6;
	s3 =	sadd.s32 $0x1, s3;
	[sflag:s21] =	ssyncset.done $0x0  }
0x79: {  	s23 =	sshrl.u32 s5, $0x3;
	p0 =	sne.s32 s3, s15;
	[sflag:s21] =	ssyncadd.s32 $0xFFFFC000  }
.Ltmp3:
0x7a: {  	s22 =	sor.u32 $0x1C03, s31;
	[bflag:$0x0] =	sbarrier.arrive $0xFFFF;
	(pc) =	sbr.rel @p0 .LBB2_1-.Ltmp3, $4  }
0x7b: {  	[hbm:s14], [sflag:s22] =	dma.local [spmem:s23], $0x2800  }
0x7c: {  	_ =	swait.ge [sflag:s17], $0x2800  }
0x7d: {  	[sflag:s17] =	ssyncset.done $0x0  }
0x7e: {  	[sflag:s17] =	ssyncadd.s32 $0xFFFFD800  }
0x7f: {  	_ =	sfence.sel $0x180000  }
0x80: {  	[bflag:$0x0] =	sbarrier.arrive $0xFFFF  }
0x81: {  	p0 =	sne.s32 s2, $0x0;
	_ =	strace $0x9000004D  }
0x82: {  	s0 =	sadd.s32 @!p0 $0x100000, s0;
	[bflag:$0x2] =	sbarrier.arrive $0xFFFF  }
0x83: {  	[sflag:s0] =	ssyncadd.tile.s32 @!p0 $0x1;
	_ =	shalt  }
.Lfunc_end2:
_tile_overlayer_lowered:
.L_overlay_start_2:
0x84: {  	(tag) =	ssettag $0x2  }
0x85: {  	s0 =	rddreg [dreg:$0x0];
	s2 =	stileid.u32  }
0x86: {  	s1 =	rddreg [dreg:$0x1];
	p0 =	sne.s32 s2, $0x0  }
0x87: {  	s3 =	rddreg [dreg:$0x2];
	[bflag:$0x3] =	sbarrier.arrive $0xFFFF;
	s2 =	simm.s32 @!p0 $0x1C03  }
0x88: {  	[timem:s3], [sflag:s2] =	dma.local @!p0 [hbm:s0], s1  }
0x89: {  	s0 =	simm.s32 @!p0 $0x3  }
0x8a: {  	_ =	swait.ge @!p0 [sflag:s0], s1  }
0x8b: {  	s1 =	ssub.s32 @!p0 $0x0, s1;
	[sflag:s0] =	ssyncset.done @!p0 $0x0  }
0x8c: {  	[sflag:s0] =	ssyncadd.s32 @!p0 s1  }
0x8d: {  	[bflag:$0x3] =	sbarrier.arrive $0xFFFF  }
0x8e: {  	_ =	shalt  }

// kernel: kernel.8.cloned.1.call-start
scs
__scs_entry_jumppad:
0x0: {  	(pc) =	sbr.rel $0x88, $3  }
0x1: {  	(tag) =	ssettag $0x0;
	lr =	simm.s32 $0x1  }
0x2: {  	[smem:$0x3F9B] =	sst lr;
	_ =	strace $0xD0000000  }
0x3: {  	_ = 	snop  }
0x4: {  	_ = 	snop  }
0x5: {  	_ = 	snop  }
0x6: {  	_ = 	snop  }
0x7: {  	_ = 	snop  }
__scs_overlays_trampoline_lowered:
0x8: {  	[smem:$0x3FAA] =	sst s0  }
0x9: {  	[smem:$0x3FAB] =	sst s1  }
0xa: {  	[smem:$0x3FAC] =	sst s2  }
0xb: {  	[smem:$0x3FAD] =	sst s3  }
0xc: {  	[smem:$0x3FAE] =	sst s4  }
0xd: {  	[smem:$0x3FAF] =	sst s5  }
0xe: {  	[smem:$0x3FB0] =	sst s6  }
0xf: {  	[smem:$0x3FB1] =	sst s7  }
0x10: {  	[smem:$0x3FB2] =	sst s8  }
0x11: {  	[smem:$0x3FB3] =	sst s9;
	s0 =	simm.s32 @!p0 $0x0  }
0x12: {  	s1 =	sld [smem:$0x3F99];
	s0 =	simm.s32 @p0 $0x1  }
0x13: {  	[smem:$0x3FB4] =	sst s0;
	s0 =	simm.s32 @!p1 $0x0  }
0x14: {  	s2 =	sld [smem:$0x3F98];
	s0 =	simm.s32 @p1 $0x1  }
0x15: {  	[smem:$0x3FB5] =	sst s0;
	s0 =	simm.s32 @!p2 $0x0  }
0x16: {  	s3 =	sld [smem:$0x3FDB];
	s0 =	simm.s32 @p2 $0x1  }
0x17: {  	s4 =	simm.s32 $0x1BF5;
	[smem:$0x3FB7] =	sst s0  }
0x18: {  	s0 =	sld [smem:$0x3F9A];
	_ =	swait.ge [sflag:s4], $0x0  }
0x19: {  	s7 =	sld [smem:$0x3F9B]  }
0x1a: {  	s8 =	sadd.s32 $0xFFFFE003, lr  }
0x1b: {  	s9 =	sadd.s32 $0xFFFFFEF7, lr;
	s5 =	simm.s32 $0xFFFFFFFF;
	p2 =	slt.u32 s8, $0xFFFFF086  }
0x1c: {  	p1 =	slt.u32 s9, $0xF7A;
	s5 =	simm.s32 @!p2 $0x0  }
0x1d: {  	s5 =	simm.s32 @p1 $0x1;
	p0 =	seq.s32 s7, s2  }
0x1e: {  	s7 =	smul.u32 @!p0 $0xF7A, s2;
	p2 =	seq.s32 @!p0 s5, $0x0  }
0x1f: {  	s9 =	smul.u32 $0xF7A, s1;
	s8 =	simm.s32 @!p0 $0x1BF5;
	p2 =	por !p2, p0  }
0x20: {  	[sflag:s8] =	ssyncset.s32 @!p0 $0xFFFFF086;
	s6 =	sadd.s32 @!p0 s3, s7;
	s7 =	simm.s32 @!p0 $0x108  }
0x21: {  	s3 =	sadd.s32 s3, s9;
	s6 =	sadd.s32 @!p0 $0x88, s6;
	s7 =	simm.s32 @p2 $0x1082  }
0x22: {  	[simem:s7], [sflag:s8] =	dma.local @!p0 [hbm:s6], $0xF7A  }
0x23: {  	s9 =	sor.u32 $0xD0000000, s2;
	s6 =	simm.s32 $0x108;
	_ =	swait.ge @!p0 [sflag:s8], $0x0  }
0x24: {  	s3 =	sadd.s32 $0x88, s3;
	s6 =	simm.s32 @!p1 $0x1082;
	[sflag:s4] =	ssyncset.s32 $0xFFFFF086  }
0x25: {  	[simem:s6], [sflag:s4] =	dma.local [hbm:s3], $0xF7A  }
0x26: {  	[smem:$0x3F9B] =	sst s1;
	(tag) =	ssettag s2;
	_ =	strace s9  }
0x27: {  	s1 =	sld [smem:$0x3FAB]  }
0x28: {  	s2 =	sld [smem:$0x3FAC]  }
0x29: {  	s4 =	sld [smem:$0x3FAE]  }
0x2a: {  	p0 =	seq.s32 s5, $0x0;
	s5 =	sld [smem:$0x3FAF]  }
0x2b: {  	s6 =	sld [smem:$0x3FB0]  }
0x2c: {  	s7 =	sld [smem:$0x3FB1]  }
0x2d: {  	s3 =	simm.s32 $0x108;
	s8 =	sld [smem:$0x3FB2]  }
0x2e: {  	s3 =	simm.s32 @!p0 $0x1082;
	s9 =	sld [smem:$0x3FB3]  }
0x2f: {  	lr =	sadd.s32 s0, s3;
	s0 =	sld [smem:$0x3FAA]  }
0x30: {  	s3 =	sld [smem:$0x3FAD]  }
0x31: {  	[smem:$0x3FB6] =	sst s10  }
0x32: {  	s10 =	sld [smem:$0x3FB4];
	_ =	sdelay $0x3  }
0x33: {  	p0 =	seq.s32 s10, $0x1;
	s10 =	sld [smem:$0x3FB6];
	_ =	sdelay $0x3  }
0x34: {  	[smem:$0x3FB6] =	sst s10  }
0x35: {  	s10 =	sld [smem:$0x3FB5];
	_ =	sdelay $0x3  }
0x36: {  	p1 =	seq.s32 s10, $0x1;
	s10 =	sld [smem:$0x3FB6];
	_ =	sdelay $0x3  }
0x37: {  	[smem:$0x3FB6] =	sst s10  }
0x38: {  	s10 =	sld [smem:$0x3FB7]  }
0x39: {  	_ = 	snop;
	(pc) =	sbr.ind lr, $3  }
0x3a: {  	_ = 	snop  }
0x3b: {  	_ = 	snop  }
0x3c: {  	p2 =	seq.s32 s10, $0x1;
	s10 =	sld [smem:$0x3FB6]  }
0x3d: {  	_ =	shalt  }
0x3e: {  	_ =	shalt  }
0x3f: {  	_ =	shalt  }
0x40: {  	_ =	shalt  }
0x41: {  	_ =	shalt  }
0x42: {  	_ =	shalt  }
0x43: {  	_ =	shalt  }
0x44: {  	_ =	shalt  }
0x45: {  	_ =	shalt  }
0x46: {  	_ =	shalt  }
0x47: {  	_ =	shalt  }
0x48: {  	_ =	shalt  }
0x49: {  	_ =	shalt  }
0x4a: {  	_ =	shalt  }
0x4b: {  	_ =	shalt  }
0x4c: {  	_ =	shalt  }
0x4d: {  	_ =	shalt  }
0x4e: {  	_ =	shalt  }
0x4f: {  	_ =	shalt  }
0x50: {  	_ =	shalt  }
0x51: {  	_ =	shalt  }
0x52: {  	_ =	shalt  }
0x53: {  	_ =	shalt  }
0x54: {  	_ =	shalt  }
0x55: {  	_ =	shalt  }
0x56: {  	_ =	shalt  }
0x57: {  	_ =	shalt  }
0x58: {  	_ =	shalt  }
0x59: {  	_ =	shalt  }
0x5a: {  	_ =	shalt  }
0x5b: {  	_ =	shalt  }
0x5c: {  	_ =	shalt  }
0x5d: {  	_ =	shalt  }
0x5e: {  	_ =	shalt  }
0x5f: {  	_ =	shalt  }
0x60: {  	_ =	shalt  }
0x61: {  	_ =	shalt  }
0x62: {  	_ =	shalt  }
0x63: {  	_ =	shalt  }
0x64: {  	_ =	shalt  }
0x65: {  	_ =	shalt  }
0x66: {  	_ =	shalt  }
0x67: {  	_ =	shalt  }
0x68: {  	_ =	shalt  }
0x69: {  	_ =	shalt  }
0x6a: {  	_ =	shalt  }
0x6b: {  	_ =	shalt  }
0x6c: {  	_ =	shalt  }
0x6d: {  	_ =	shalt  }
0x6e: {  	_ =	shalt  }
0x6f: {  	_ =	shalt  }
0x70: {  	_ =	shalt  }
0x71: {  	_ =	shalt  }
0x72: {  	_ =	shalt  }
0x73: {  	_ =	shalt  }
0x74: {  	_ =	shalt  }
0x75: {  	_ =	shalt  }
0x76: {  	_ =	shalt  }
0x77: {  	_ =	shalt  }
0x78: {  	_ =	shalt  }
0x79: {  	_ =	shalt  }
0x7a: {  	_ =	shalt  }
0x7b: {  	_ =	shalt  }
0x7c: {  	_ =	shalt  }
0x7d: {  	_ =	shalt  }
0x7e: {  	_ =	shalt  }
0x7f: {  	_ =	shalt  }
0x80: {  	_ =	shalt  }
0x81: {  	_ =	shalt  }
0x82: {  	_ =	shalt  }
0x83: {  	_ =	shalt  }
0x84: {  	_ =	shalt  }
0x85: {  	_ =	shalt  }
0x86: {  	_ =	shalt  }
0x87: {  	_ =	shalt  }
.Lfunc_end0:
.L_simem_size_0:
called_computation_lowered:
.L_overlay_start_0:
0x88: {  	s2 =	sld [smem:$0x3FD9]  }
0x89: {  	s3 =	sld [smem:$0x3FFE];
	_ =	sdelay $0x1  }
0x8a: {  	s1 =	srdreg.scid  }
0x8b: {  	s0 =	sand.u32 $0x1, s1  }
0x8c: {  	s17 =	sshll.u32 s0, $0xA;
	s2 =	sadd.s32 s3, s2  }
0x8d: {  	s2 =	sadd.s32 s2, s17  }
0x8e: {  	[smem:$0x3FC2] =	sst s2  }
0x8f: {  	_ = 	snop  }
0x90: {  	s2 =	sld [smem:$0x3FD0];
	(tm) =	ssettm $0x1  }
0x91: {  	s18 =	sld [smem:$0x3FFB];
	_ =	sdelay $0x3  }
0x92: {  	_ =	strace s18  }
0x93: {  	s3 =	sld [smem:$0x3FFC];
	_ =	sdelay $0x3  }
0x94: {  	_ =	strace s3  }
0x95: {  	s3 =	sld [smem:$0x3FFD];
	_ =	sdelay $0x3  }
0x96: {  	_ =	strace s3  }
0x97: {  	_ =	strace $0x8FFFFFFF  }
0x98: {  	s19 =	sld [smem:$0x3FDB];
	_ =	sdelay $0x1  }
0x99: {  	s4 =	simm.s32 $_scs_section_size  }
0x9a: {  	s5 =	simm.s32 $_size__tile_overlayer_lowered;
	s6 =	simm.s32 $_tile_overlayer_lowered  }
0x9b: {  	s22 =	simm.s32 $0x1BFF;
	s21 =	sshll.u32 s6, $0x1;
	s3 =	sadd.s32 s4, s19  }
0x9c: {  	s7 =	simm.s32 $0x0;
	s20 =	sshll.u32 s5, $0x1;
	s5 =	sadd.s32 s21, s3  }
0x9d: {  	[timem:s7], [sflag:s22] =	dma.local [hbm:s5], s20  }
0x9e: {  	_ =	swait.ge [sflag:s22], s20  }
0x9f: {  	s4 =	ssub.s32 $0x0, s20;
	[sflag:s22] =	ssyncset.done $0x0  }
0xa0: {  	[sflag:s22] =	ssyncadd.s32 s4;
	_ =	sdelay $0x1  }
0xa1: {  	s23 =	simm.s32 $0x1B8B  }
0xa2: {  	_ =	swait.ge [sflag:s23], $0x1  }
0xa3: {  	[sflag:s23] =	ssyncset.done $0x0  }
0xa4: {  	s25 =	simm.s32 $0x1B8E;
	s24 =	sld [smem:$0x3FFE];
	[sflag:s23] =	ssyncadd.s32 $0xFFFFFFFF  }
0xa5: {  	s26 =	simm.s32 $execute0_lowered;
	[smem:$0x3FD2] =	sst s25  }
0xa6: {  	s5 =	sshll.u32 s26, $0x1;
	_ =	strace $0x80000046;
	[dreg:$0x1] =	wrdreg $0xFFFFFFFF  }
0xa7: {  	s28 =	simm.s32 $_size_execute0_lowered;
	s3 =	sadd.s32 s3, s5;
	[dreg:$0x0] =	wrdreg $0x0  }
0xa8: {  	s5 =	sshll.u32 s28, $0x1;
	[dreg:$0x2] =	wrdreg s3  }
0xa9: {  	[dreg:$0x3] =	wrdreg s5  }
0xaa: {  	[dreg:$0x4] =	wrdreg $0xC0  }
0xab: {  	_ =	task [dreg:s7], $0x5FFFF  }
0xac: {  	[dreg:$0x1] =	wrdreg $0xFFFFFFFF  }
0xad: {  	[dreg:$0x0] =	wrdreg $0x60  }
0xae: {  	[dreg:$0x2] =	wrdreg s2  }
0xaf: {  	[dreg:$0x3] =	wrdreg s24  }
0xb0: {  	[dreg:$0x4] =	wrdreg $0x94000  }
0xb1: {  	[dreg:$0x5] =	wrdreg $0x9  }
0xb2: {  	_ =	task.clear_ibuf [dreg:s7], $0x6FFFF;
	_ =	strace $0x90000046  }
0xb3: {  	s29 =	simm.s32 $0x9;
	_ =	strace $0x80000048  }
0xb4: {  	_ =	swait.ge [sflag:s29], $0x1  }
0xb5: {  	[sflag:s29] =	ssyncadd.s32 $0xFFFFFFFF  }
0xb6: {  	_ =	strace $0x90000048  }
0xb7: {  	_ =	sfence  }
0xb8: {  	s30 =	sld [smem:$0x0];
	_ =	sdelay $0x2  }
0xb9: {  	s31 =	sshll.u32 s1, $0xD;
	s1 =	sshrl.u32 s1, $0x2  }
0xba: {  	s3 =	sand.u32 $0x4000, s31;
	s1 =	sadd.s32 s1, s30  }
0xbb: {  	s0 =	sor.u32 s3, s0;
	s1 =	sshll.u32 s1, $0x11  }
0xbc: {  	s0 =	sor.u32 s1, s0  }
0xbd: {  	s0 =	sadd.s32 $0x8F2B, s0  }
0xbe: {  	[sflag:s0] =	ssyncadd.remote.s32 $0x1  }
0xbf: {  	_ =	sfence.sel $0xFFFF  }
0xc0: {  	[dreg:$0x0] =	wrdreg $0xFFFFFFFF;
	(pc) =	sbr.abs _section_cstart, $3  }
0xc1: {  	[dreg:$0x1] =	wrdreg $0xFFFFFFFF  }
0xc2: {  	_ =	task.clear_ibuf [dreg:s7], $0x2FFFF;
	_ =	strace $0x9FFFFFFF  }
0xc3: {  	(tm) =	ssettm $0x7FFFFFFF  }
tec
execute0_lowered:
.L_overlay_start_1:
0x0: {  	(tag) =	ssettag $0x1  }
0x1: {  	s8 =	rddreg [dreg:$0x0]  }
0x2: {  	s4 =	rddreg [dreg:$0x1];
	s0 =	srdreg.scid  }
0x3: {  	s2 =	rddreg [dreg:$0x2];
	s1 =	stileid.u32  }
0x4: {  	s3 =	simm.s32 $0x0;
	s13 =	simm.s32 $0x5400;
	s14 =	simm.s32 $0x2  }
0x5: {  	s15 =	simm.s32 $0x80;
	s16 =	simm.s32 $0x1400;
	s17 =	simm.s32 $0x1  }
0x6: {  	s5 =	sand.u32 $0x1, s0;
	s0 =	rddreg [dreg:$0x3];
	s7 =	smul.u32 $0x14000, s1  }
0x7: {  	[smem:$0x7FF] =	sst s3;
	s9 =	smul.u32 $0x50000, s1;
	s18 =	sshll.u32 s1, $0x6  }
0x8: {  	s6 =	smul.u32 $0x140000, s5;
	s29 =	sshll.u32 s5, $0x4;
	_ =	strace $0x80000047  }
0x9: {  	s5 =	ssub.s32 $0x2, s5;
	s18 =	sor.u32 $0x1C02, s18;
	s9 =	sshrl.u32 s9, $0x2  }
0xa: {  	s30 =	sshrl.u32 s5, $0x1;
	s6 =	sadd.s32 s7, s6;
	s7 =	sor.u32 s1, s29  }
0xb: {  	s12 =	ssub.s32 s5, s30;
	s6 =	sshrl.u32 s6, $0x3;
	s7 =	smul.u32 $0x2800, s7  }
0xc: {  	s12 =	smax.u32 s12, $0x1;
	s11 =	sadd.s32 s6, s4;
	s4 =	sadd.s32 s9, s2  }
0xd: {  	s5 =	sadd.s32 $0x4000, s4;
	s31 =	sshrl.u32 s7, $0x3;
	s6 =	sadd.s32 $0x8000, s4  }
0xe: {  	s7 =	sadd.s32 $0xC000, s4;
	s9 =	sadd.s32 $0x10000, s4;
	s8 =	sadd.s32 s8, s31  }
0xf: {  	v0 =	vimm.f32 $1.000000000e+00;
	v1 =	vimm.f32 $0.0e+00;
	s11 =	sadd.s32 $0x2C00, s11;
	s19 =	sshrl.u32 s4, $0x3;
	s10 =	sadd.s32 $0x280, s8  }
.LBB2_1:
0x10: {  	s20 =	simm.s32 $0x200;
	s21 =	simm.s32 $0x0  }
.LBB2_2:
0x11: {  	p0 =	sne.s32 s20, $0xFE00;
	[tilespmem:s21+$0x1400] =	vst v0;
	s22 =	smov.u32 s20;
	s20 =	sadd.s32 $0x200, s20  }
.Ltmp0:
0x12: {  	[tilespmem:s21+$0x5400] =	vst v1;
	(pc) =	sbr.rel @p0 .LBB2_2-.Ltmp0, $2  }
0x13: {  	_ =	sdelay $0x2  }
0x14: {  	s21 =	sshra.s32 s22, $0x2  }
0x15: {  	[tilespmem:s21+$0x1400] =	vst v0  }
0x16: {  	[tilespmem:s21+$0x5400] =	vst v1  }
0x17: {  	[spmem:s4] =	stream.linear.scatter [tilespmem:s13], [sflag:$0x2], $0x4000, $0x38;
	[tilespmem:$0xBC00] =	vst v63  }
0x18: {  	_ =	swait.ge [sflag:s14], $0x4000  }
0x19: {  	[sflag:s14] =	ssyncset.done $0x0  }
0x1a: {  	[sflag:s14] =	ssyncadd.s32 $0xFFFFC000  }
0x1b: {  	[spmem:s5] =	stream.linear.scatter [tilespmem:s13], [sflag:$0x2], $0x4000, $0x38;
	[tilespmem:$0xBC00] =	vst v63  }
0x1c: {  	_ =	swait.ge [sflag:s14], $0x4000  }
0x1d: {  	[sflag:s14] =	ssyncset.done $0x0  }
0x1e: {  	[sflag:s14] =	ssyncadd.s32 $0xFFFFC000  }
0x1f: {  	[spmem:s6] =	stream.linear.scatter [tilespmem:s13], [sflag:$0x2], $0x4000, $0x38;
	[tilespmem:$0xBC00] =	vst v63  }
0x20: {  	_ =	swait.ge [sflag:s14], $0x4000  }
0x21: {  	[sflag:s14] =	ssyncset.done $0x0  }
0x22: {  	[sflag:s14] =	ssyncadd.s32 $0xFFFFC000  }
0x23: {  	[spmem:s7] =	stream.linear.scatter [tilespmem:s13], [sflag:$0x2], $0x4000, $0x38;
	[tilespmem:$0xBC00] =	vst v63  }
0x24: {  	_ =	swait.ge [sflag:s14], $0x4000  }
0x25: {  	[sflag:s14] =	ssyncset.done $0x0  }
0x26: {  	[sflag:s14] =	ssyncadd.s32 $0xFFFFC000  }
0x27: {  	[spmem:s9] =	stream.linear.scatter [tilespmem:s13], [sflag:$0x2], $0x4000, $0x38;
	[tilespmem:$0xBC00] =	vst v63  }
0x28: {  	_ =	swait.ge [sflag:s14], $0x4000  }
0x29: {  	[sflag:s14] =	ssyncset.done $0x0  }
0x2a: {  	[sflag:s14] =	ssyncadd.s32 $0xFFFFC000  }
0x2b: {  	s20 =	simm.s32 $0x0;
	[bflag:$0x0] =	sbarrier.arrive $0xFFFF  }
0x2c: {  	[tilespmem:s20], [sflag:$0x2] =	stream.linear.gather [hbm4b:s8+s20], $0x1400, $0x38;
	[tilespmem:$0xBC00] =	vst v63  }
0x2d: {  	_ =	swait.ge [sflag:s14], $0x1400  }
0x2e: {  	[sflag:s14] =	ssyncset.done $0x0  }
0x2f: {  	s31 =	simm.s32 $0x0;
	[sflag:s14] =	ssyncadd.s32 $0xFFFFEC00  }
0x30: {  	[spmem:s2] =	stream.indirect.scatter.add.f32 [tilespmem:s16], [sflag:$0x1], $0x10, s31, s15, $0xb8;
	[tilespmem:$0xBC00] =	vst v63  }
0x31: {  	_ =	swait.ge [sflag:s17], $0x800  }
0x32: {  	s20 =	simm.s32 $0x200;
	[sflag:s17] =	ssyncset.done $0x0  }
.LBB2_4:
0x33: {  	s21 =	sshra.s32 s20, $0x2;
	[sflag:s17] =	ssyncadd.s32 $0xFFFFF800;
	p0 =	sne.s32 s20, $0x4E00  }
0x34: {  	[spmem:s2] =	stream.indirect.scatter.add.f32 [tilespmem:s16], [sflag:$0x1], $0x10, s21, s15, $0xb8;
	[tilespmem:$0xBC00] =	vst v63  }
.Ltmp1:
0x35: {  	_ = 	snop;
	(pc) =	sbr.rel @p0 .LBB2_4-.Ltmp1, $4  }
0x36: {  	_ = 	snop  }
0x37: {  	s20 =	sadd.s32 $0x200, s20  }
0x38: {  	_ =	swait.ge [sflag:s17], $0x800  }
0x39: {  	[sflag:s17] =	ssyncset.done $0x0  }
0x3a: {  	[sflag:s17] =	ssyncadd.s32 $0xFFFFF800;
	s20 =	simm.s32 $0x0  }
0x3b: {  	[tilespmem:s20], [sflag:$0x2] =	stream.linear.gather [hbm4b:s10+s20], $0x1400, $0x38;
	[tilespmem:$0xBC00] =	vst v63  }
0x3c: {  	_ =	swait.ge [sflag:s14], $0x1400  }
0x3d: {  	[sflag:s14] =	ssyncset.done $0x0  }
0x3e: {  	s31 =	simm.s32 $0x0;
	[sflag:s14] =	ssyncadd.s32 $0xFFFFEC00  }
0x3f: {  	[spmem:s2] =	stream.indirect.scatter.add.f32 [tilespmem:s16], [sflag:$0x1], $0x10, s31, s15, $0xb8;
	[tilespmem:$0xBC00] =	vst v63  }
0x40: {  	_ =	swait.ge [sflag:s17], $0x800  }
0x41: {  	s20 =	simm.s32 $0x200;
	[sflag:s17] =	ssyncset.done $0x0  }
.LBB2_6:
0x42: {  	s21 =	sshra.s32 s20, $0x2;
	[sflag:s17] =	ssyncadd.s32 $0xFFFFF800;
	p0 =	sne.s32 s20, $0x4E00  }
0x43: {  	[spmem:s2] =	stream.indirect.scatter.add.f32 [tilespmem:s16], [sflag:$0x1], $0x10, s21, s15, $0xb8;
	[tilespmem:$0xBC00] =	vst v63  }
.Ltmp2:
0x44: {  	_ = 	snop;
	(pc) =	sbr.rel @p0 .LBB2_6-.Ltmp2, $4  }
0x45: {  	_ = 	snop  }
0x46: {  	s20 =	sadd.s32 $0x200, s20  }
0x47: {  	_ =	swait.ge [sflag:s17], $0x800  }
0x48: {  	[sflag:s17] =	ssyncset.done $0x0  }
0x49: {  	s3 =	sadd.s32 $0x1, s3  }
0x4a: {  	[sflag:s17] =	ssyncadd.s32 $0xFFFFF800;
	p0 =	sne.s32 s3, s12  }
.Ltmp3:
0x4b: {  	[bflag:$0x0] =	sbarrier.arrive $0xFFFF;
	(pc) =	sbr.rel @p0 .LBB2_1-.Ltmp3, $4  }
0x4c: {  	[hbm:s11], [sflag:s18] =	dma.local [spmem:s19], $0x2800  }
0x4d: {  	_ =	swait.ge [sflag:s14], $0x2800  }
0x4e: {  	[sflag:s14] =	ssyncset.done $0x0  }
0x4f: {  	[sflag:s14] =	ssyncadd.s32 $0xFFFFD800  }
0x50: {  	_ =	sfence.sel $0x180000  }
0x51: {  	[bflag:$0x0] =	sbarrier.arrive $0xFFFF  }
0x52: {  	p0 =	sne.s32 s1, $0x0;
	_ =	strace $0x90000047  }
0x53: {  	s0 =	sadd.s32 @!p0 $0x100000, s0;
	[bflag:$0x2] =	sbarrier.arrive $0xFFFF  }
0x54: {  	[sflag:s0] =	ssyncadd.tile.s32 @!p0 $0x1;
	_ =	shalt  }
.Lfunc_end2:
_tile_overlayer_lowered:
.L_overlay_start_2:
0x55: {  	(tag) =	ssettag $0x2  }
0x56: {  	s0 =	rddreg [dreg:$0x0];
	s2 =	stileid.u32  }
0x57: {  	s1 =	rddreg [dreg:$0x1];
	p0 =	sne.s32 s2, $0x0  }
0x58: {  	s3 =	rddreg [dreg:$0x2];
	[bflag:$0x3] =	sbarrier.arrive $0xFFFF;
	s2 =	simm.s32 @!p0 $0x1C02  }
0x59: {  	[timem:s3], [sflag:s2] =	dma.local @!p0 [hbm:s0], s1  }
0x5a: {  	s0 =	simm.s32 @!p0 $0x2  }
0x5b: {  	_ =	swait.ge @!p0 [sflag:s0], s1  }
0x5c: {  	s1 =	ssub.s32 @!p0 $0x0, s1;
	[sflag:s0] =	ssyncset.done @!p0 $0x0  }
0x5d: {  	[sflag:s0] =	ssyncadd.s32 @!p0 s1  }
0x5e: {  	[bflag:$0x3] =	sbarrier.arrive $0xFFFF  }
0x5f: {  	_ =	shalt  }

</sc_bundles>
